<compile_context>
chip_gen: v7x
topology: tpu7x:2x2x1
jax: 0.10.2.dev20260603
libtpu: 0.0.44.dev20260713+nightly
codegen_flags: <defaults>
</compile_context>

<pallas_src>
import functools

import jax
import jax.numpy as jnp
from jax import lax
from jax.experimental import pallas as pl
from jax.experimental.pallas import tpu as pltpu
from jax.experimental.pallas import tpu_sc as plsc

N = 10000
D = 128
H = 128
E = 320000

NC = 2
NS = 16
NW = NC * NS

NP = 10240
EC = 80
CPW = 125
EPW = CPW * EC
RPT = NP // NS
ZCP = RPT // EC

_SC_MESH = dict(core_axis_name="c", subcore_axis_name="s")


@functools.partial(
    pl.kernel,
    mesh=plsc.VectorSubcoreMesh(**_SC_MESH),
    out_type=jax.ShapeDtypeStruct((NC, NP, 16), jnp.float32),
    scratch_types=[
        pltpu.VMEM((CPW, EC), jnp.int32),
        pltpu.VMEM((EC, 16), jnp.float32),
        pltpu.VMEM_SHARED((NP, 16), jnp.float32),
    ],
)
def _deg_kernel(dst_hbm, out_hbm, idx_d, buf, acc):
    c = lax.axis_index("c")
    s = lax.axis_index("s")
    w = s * NC + c

    def zrow(i, carry):
        buf[i, :] = jnp.zeros((16,), jnp.float32)
        return carry

    lax.fori_loop(0, EC, zrow, 0)
    base = s * RPT
    for t in range(ZCP):
        pltpu.sync_copy(buf, acc.at[pl.ds(base + t * EC, EC), :])

    def orow(i, carry):
        buf[i, :] = jnp.ones((16,), jnp.float32)
        return carry

    lax.fori_loop(0, EC, orow, 0)
    pltpu.sync_copy(dst_hbm.at[w], idx_d)
    plsc.subcore_barrier()

    def body(j, carry):
        pltpu.sync_copy(buf, acc.at[idx_d.at[j]], add=True)
        return carry

    lax.fori_loop(0, CPW, body, 0)
    plsc.subcore_barrier()
    pltpu.sync_copy(acc.at[pl.ds(base, RPT), :], out_hbm.at[c, pl.ds(base, RPT), :])


@functools.partial(
    pl.kernel,
    mesh=plsc.VectorSubcoreMesh(**_SC_MESH),
    out_type=jax.ShapeDtypeStruct((NC, NP, H), jnp.float32),
    scratch_types=[
        pltpu.VMEM((CPW, EC), jnp.int32),
        pltpu.VMEM((CPW, EC), jnp.int32),
        pltpu.VMEM((EC, H), jnp.float32),
        pltpu.VMEM_SHARED((NP, H), jnp.float32),
    ],
)
def _scatter_kernel(xs_hbm, src_hbm, dst_hbm, out_hbm,
                    idx_s, idx_d, rows, acc):
    c = lax.axis_index("c")
    s = lax.axis_index("s")
    w = s * NC + c

    def zrow(i, carry):
        for jj in range(H // 16):
            rows[i, pl.ds(jj * 16, 16)] = jnp.zeros((16,), jnp.float32)
        return carry

    lax.fori_loop(0, EC, zrow, 0)
    base = s * RPT
    for t in range(ZCP):
        pltpu.sync_copy(rows, acc.at[pl.ds(base + t * EC, EC), :])

    pltpu.sync_copy(src_hbm.at[w], idx_s)
    pltpu.sync_copy(dst_hbm.at[w], idx_d)
    plsc.subcore_barrier()

    def body(j, carry):
        pltpu.sync_copy(xs_hbm.at[idx_s.at[j]], rows)
        pltpu.sync_copy(rows, acc.at[idx_d.at[j]], add=True)
        return carry

    lax.fori_loop(0, CPW, body, 0)

    plsc.subcore_barrier()
    pltpu.sync_copy(acc.at[pl.ds(base, RPT), :], out_hbm.at[c, pl.ds(base, RPT), :])


BLK = 1000
GRID = N // BLK


def _tc0_body(x, w, xw_o):
    xw_o[...] = jnp.dot(x[...], w[...], preferred_element_type=jnp.float32)


def _tc1_body(d0, d1, xw, xs_o, dinv_o):
    deg = d0[:, 0:1] + d1[:, 0:1] + 1.0
    dinv = lax.rsqrt(deg)
    xs_o[...] = xw[...] * dinv
    dinv_o[...] = jnp.broadcast_to(dinv, xw[...].shape)


def _tc2_body(p0, p1, xs, dinv, w, b, xs2_o):
    t = (p0[...] + p1[...] + xs[...]) * dinv[...]
    h = jnp.maximum(t + b[...], 0.0)
    xs2_o[...] = jnp.dot(h, w[...], preferred_element_type=jnp.float32) * dinv[...]


def _tc3_body(q0, q1, xs2, dinv, b, wf, bf, out_o):
    t = (q0[...] + q1[...] + xs2[...]) * dinv[...]
    h = jnp.maximum(t + b[...], 0.0)
    out_o[...] = jnp.dot(h, wf[...], preferred_element_type=jnp.float32) + bf[...]


_row_spec = lambda width: pl.BlockSpec((BLK, width), lambda i: (i, 0))
_full_spec = lambda r, cc: pl.BlockSpec((r, cc), lambda i: (0, 0))

_tc0 = pl.pallas_call(
    _tc0_body,
    grid=(GRID,),
    in_specs=[_row_spec(D), _full_spec(D, H)],
    out_specs=[_row_spec(H)],
    out_shape=[jax.ShapeDtypeStruct((N, H), jnp.float32)],
)

_tc1 = pl.pallas_call(
    _tc1_body,
    grid=(GRID,),
    in_specs=[_row_spec(16), _row_spec(16), _row_spec(H)],
    out_specs=[_row_spec(H), _row_spec(H)],
    out_shape=[
        jax.ShapeDtypeStruct((N, H), jnp.float32),
        jax.ShapeDtypeStruct((N, H), jnp.float32),
    ],
)

_tc2 = pl.pallas_call(
    _tc2_body,
    grid=(GRID,),
    in_specs=[_row_spec(H), _row_spec(H), _row_spec(H), _row_spec(H),
              _full_spec(H, H), _full_spec(1, H)],
    out_specs=[_row_spec(H)],
    out_shape=[jax.ShapeDtypeStruct((N, H), jnp.float32)],
)

_tc3 = pl.pallas_call(
    _tc3_body,
    grid=(GRID,),
    in_specs=[_row_spec(H), _row_spec(H), _row_spec(H), _row_spec(H),
              _full_spec(1, H), _full_spec(H, 1), _full_spec(1, 1)],
    out_specs=[pl.BlockSpec((BLK, 1), lambda i: (i, 0))],
    out_shape=[jax.ShapeDtypeStruct((N, 1), jnp.float32)],
)


def kernel(x, edge_index, W1, b1, W2, b2, Wf, bf):
    src3 = edge_index[0].reshape(NW, CPW, EC)
    dst3 = edge_index[1].reshape(NW, CPW, EC)

    (xw1,) = _tc0(x, W1)
    degp = _deg_kernel(dst3)
    xs1, dinv = _tc1(degp[0], degp[1], xw1)
    p = _scatter_kernel(xs1, src3, dst3)
    (xs2,) = _tc2(p[0], p[1], xs1, dinv, W2, b1.reshape(1, H))
    q = _scatter_kernel(xs2, src3, dst3)
    (out,) = _tc3(q[0], q[1], xs2, dinv, b2.reshape(1, H),
                  Wf, bf.reshape(1, 1))
    return out.reshape(N)

# --- scband reference (transcript-rebuilt; emitter-appended) ---
"""Pipeline reference for scband-discriminator-1039382086148 (READ-ONLY COPY).

The authoritative reference and input builder live on the scoring server;
editing this copy changes nothing except your own understanding.
"""

import jax, jax.numpy as jnp
import numpy as np

N = 10000
E = 320000
D = 128
H = 128


def gcn_conv(x, edge_index, W, b):
    n = x.shape[0]
    loop = jnp.arange(n, dtype=edge_index.dtype)
    src = jnp.concatenate([edge_index[0], loop])
    dst = jnp.concatenate([edge_index[1], loop])
    xw = x @ W
    deg = jnp.zeros((n,), dtype=x.dtype).at[dst].add(1.0)
    dinv = jax.lax.rsqrt(deg)
    norm = dinv[src] * dinv[dst]
    msg = xw[src] * norm[:, None]
    out = jnp.zeros((n, W.shape[1]), dtype=x.dtype).at[dst].add(msg)
    return out + b


def setup_inputs(seed: int = 0) -> dict:
    key = jax.random.key(seed)
    ks = jax.random.split(key, 8)
    x = jax.random.normal(ks[0], (N, D), dtype=jnp.float32)
    edge_index = jax.random.randint(ks[1], (2, E), 0, N, dtype=jnp.int32)
    W1 = jax.random.normal(ks[2], (D, H), dtype=jnp.float32) * (1.0 / np.sqrt(D))
    b1 = jnp.zeros((H,), dtype=jnp.float32)
    W2 = jax.random.normal(ks[3], (H, H), dtype=jnp.float32) * (1.0 / np.sqrt(H))
    b2 = jnp.zeros((H,), dtype=jnp.float32)
    Wf = jax.random.normal(ks[4], (H, 1), dtype=jnp.float32) * (1.0 / np.sqrt(H))
    bf = jnp.zeros((1,), dtype=jnp.float32)
    return {"x": x, "edge_index": edge_index, "W1": W1, "b1": b1, "W2": W2, "b2": b2, "Wf": Wf, "bf": bf}


def reference(x, edge_index, W1, b1, W2, b2, Wf, bf):
    h = jax.nn.relu(gcn_conv(x, edge_index, W1, b1))
    h = jax.nn.relu(gcn_conv(h, edge_index, W2, b2))
    out = (h @ Wf + bf).squeeze()
    return out

if __name__ == "__main__":
    import jax
    _d = setup_inputs()
    print(jax.jit(kernel)(*tuple(_d.values())))

</pallas_src>

<mosaic_0001>
#map = affine_map<(d0, d1) -> (0, 0)>
#map1 = affine_map<(d0, d1) -> (0, 0, 0)>
module attributes {stable_mosaic.version = 14 : i64} {
  func.func @_scatter_kernel(%arg0: i32, %arg1: i32, %arg2: memref<10000x128xf32, #tpu.memory_space<hbm>>, %arg3: memref<32x125x80xi32, #tpu.memory_space<hbm>>, %arg4: memref<32x125x80xi32, #tpu.memory_space<hbm>>, %arg5: memref<2x10240x128xf32, #tpu.memory_space<hbm>>, %arg6: memref<125x80xi32, #tpu.memory_space<vmem>>, %arg7: memref<125x80xi32, #tpu.memory_space<vmem>>, %arg8: memref<80x128xf32, #tpu.memory_space<vmem>>, %arg9: memref<10240x128xf32, #tpu.memory_space<vmem_shared>>) attributes {dimension_semantics = [#tpu.dimension_semantics<core_parallel>, #tpu.dimension_semantics<subcore_parallel>], iteration_bounds = array<i64: 2, 16>, scalar_prefetch = 0 : i64, scratch_operands = 4 : i64, tpu.core_type = #tpu.core_type<sc_vector_subcore>, window_params = [{transform_indices = #map}, {transform_indices = #map1}, {transform_indices = #map1}, {transform_indices = #map1}]} {
    %mul3A = arith.constant 2 : i32
    %mul3A_0 = arith.muli %arg1, %mul3A : i32
    %add3A = arith.addi %mul3A_0, %arg0 : i32
    %scan3A = arith.constant 0 : i32
    %scan3A_1 = arith.constant 0 : i32
    %scan3A_2 = arith.constant 80 : i32
    %scan3A_3 = arith.addi %scan3A_1, %scan3A_2 : i32
    %scan3A_4 = arith.constant 1 : i32
    scf.for %scan3A_31 = %scan3A_1 to %scan3A_3 step %scan3A_4  : i32 {
      %broadcast_in_dim3A = arith.constant 0.000000e+00 : f32
      %broadcast_in_dim3A_32 = vector.broadcast %broadcast_in_dim3A : f32 to vector<16xf32>
      %swap3A = arith.index_cast %scan3A_31 : i32 to index
      %swap3A_33 = arith.constant 0 : index
      %swap3A_34 = tpu.vector_load %arg8[%swap3A, %swap3A_33] {strides = array<i32>} : memref<80x128xf32, #tpu.memory_space<vmem>>, vector<1x16xf32>,
      %swap3A_35 = vector.shape_cast %swap3A_34 : vector<1x16xf32> to vector<16xf32>
      %swap3A_36 = vector.shape_cast %broadcast_in_dim3A_32 : vector<16xf32> to vector<1x16xf32>
      tpu.vector_store %arg8[%swap3A, %swap3A_33], %swap3A_36 {strides = array<i32>} : memref<80x128xf32, #tpu.memory_space<vmem>>, vector<1x16xf32>,
      %broadcast_in_dim3A_37 = arith.constant 0.000000e+00 : f32
      %broadcast_in_dim3A_38 = vector.broadcast %broadcast_in_dim3A_37 : f32 to vector<16xf32>
      %swap3A_39 = arith.index_cast %scan3A_31 : i32 to index
      %swap3A_40 = arith.constant 16 : index
      %swap3A_41 = tpu.vector_load %arg8[%swap3A_39, %swap3A_40] {strides = array<i32>} : memref<80x128xf32, #tpu.memory_space<vmem>>, vector<1x16xf32>,
      %swap3A_42 = vector.shape_cast %swap3A_41 : vector<1x16xf32> to vector<16xf32>
      %swap3A_43 = vector.shape_cast %broadcast_in_dim3A_38 : vector<16xf32> to vector<1x16xf32>
      tpu.vector_store %arg8[%swap3A_39, %swap3A_40], %swap3A_43 {strides = array<i32>} : memref<80x128xf32, #tpu.memory_space<vmem>>, vector<1x16xf32>,
      %broadcast_in_dim3A_44 = arith.constant 0.000000e+00 : f32
      %broadcast_in_dim3A_45 = vector.broadcast %broadcast_in_dim3A_44 : f32 to vector<16xf32>
      %swap3A_46 = arith.index_cast %scan3A_31 : i32 to index
      %swap3A_47 = arith.constant 32 : index
      %swap3A_48 = tpu.vector_load %arg8[%swap3A_46, %swap3A_47] {strides = array<i32>} : memref<80x128xf32, #tpu.memory_space<vmem>>, vector<1x16xf32>,
      %swap3A_49 = vector.shape_cast %swap3A_48 : vector<1x16xf32> to vector<16xf32>
      %swap3A_50 = vector.shape_cast %broadcast_in_dim3A_45 : vector<16xf32> to vector<1x16xf32>
      tpu.vector_store %arg8[%swap3A_46, %swap3A_47], %swap3A_50 {strides = array<i32>} : memref<80x128xf32, #tpu.memory_space<vmem>>, vector<1x16xf32>,
      %broadcast_in_dim3A_51 = arith.constant 0.000000e+00 : f32
      %broadcast_in_dim3A_52 = vector.broadcast %broadcast_in_dim3A_51 : f32 to vector<16xf32>
      %swap3A_53 = arith.index_cast %scan3A_31 : i32 to index
      %swap3A_54 = arith.constant 48 : index
      %swap3A_55 = tpu.vector_load %arg8[%swap3A_53, %swap3A_54] {strides = array<i32>} : memref<80x128xf32, #tpu.memory_space<vmem>>, vector<1x16xf32>,
      %swap3A_56 = vector.shape_cast %swap3A_55 : vector<1x16xf32> to vector<16xf32>
      %swap3A_57 = vector.shape_cast %broadcast_in_dim3A_52 : vector<16xf32> to vector<1x16xf32>
      tpu.vector_store %arg8[%swap3A_53, %swap3A_54], %swap3A_57 {strides = array<i32>} : memref<80x128xf32, #tpu.memory_space<vmem>>, vector<1x16xf32>,
      %broadcast_in_dim3A_58 = arith.constant 0.000000e+00 : f32
      %broadcast_in_dim3A_59 = vector.broadcast %broadcast_in_dim3A_58 : f32 to vector<16xf32>
      %swap3A_60 = arith.index_cast %scan3A_31 : i32 to index
      %swap3A_61 = arith.constant 64 : index
      %swap3A_62 = tpu.vector_load %arg8[%swap3A_60, %swap3A_61] {strides = array<i32>} : memref<80x128xf32, #tpu.memory_space<vmem>>, vector<1x16xf32>,
      %swap3A_63 = vector.shape_cast %swap3A_62 : vector<1x16xf32> to vector<16xf32>
      %swap3A_64 = vector.shape_cast %broadcast_in_dim3A_59 : vector<16xf32> to vector<1x16xf32>
      tpu.vector_store %arg8[%swap3A_60, %swap3A_61], %swap3A_64 {strides = array<i32>} : memref<80x128xf32, #tpu.memory_space<vmem>>, vector<1x16xf32>,
      %broadcast_in_dim3A_65 = arith.constant 0.000000e+00 : f32
      %broadcast_in_dim3A_66 = vector.broadcast %broadcast_in_dim3A_65 : f32 to vector<16xf32>
      %swap3A_67 = arith.index_cast %scan3A_31 : i32 to index
      %swap3A_68 = arith.constant 80 : index
      %swap3A_69 = tpu.vector_load %arg8[%swap3A_67, %swap3A_68] {strides = array<i32>} : memref<80x128xf32, #tpu.memory_space<vmem>>, vector<1x16xf32>,
      %swap3A_70 = vector.shape_cast %swap3A_69 : vector<1x16xf32> to vector<16xf32>
      %swap3A_71 = vector.shape_cast %broadcast_in_dim3A_66 : vector<16xf32> to vector<1x16xf32>
      tpu.vector_store %arg8[%swap3A_67, %swap3A_68], %swap3A_71 {strides = array<i32>} : memref<80x128xf32, #tpu.memory_space<vmem>>, vector<1x16xf32>,
      %broadcast_in_dim3A_72 = arith.constant 0.000000e+00 : f32
      %broadcast_in_dim3A_73 = vector.broadcast %broadcast_in_dim3A_72 : f32 to vector<16xf32>
      %swap3A_74 = arith.index_cast %scan3A_31 : i32 to index
      %swap3A_75 = arith.constant 96 : index
      %swap3A_76 = tpu.vector_load %arg8[%swap3A_74, %swap3A_75] {strides = array<i32>} : memref<80x128xf32, #tpu.memory_space<vmem>>, vector<1x16xf32>,
      %swap3A_77 = vector.shape_cast %swap3A_76 : vector<1x16xf32> to vector<16xf32>
      %swap3A_78 = vector.shape_cast %broadcast_in_dim3A_73 : vector<16xf32> to vector<1x16xf32>
      tpu.vector_store %arg8[%swap3A_74, %swap3A_75], %swap3A_78 {strides = array<i32>} : memref<80x128xf32, #tpu.memory_space<vmem>>, vector<1x16xf32>,
      %broadcast_in_dim3A_79 = arith.constant 0.000000e+00 : f32
      %broadcast_in_dim3A_80 = vector.broadcast %broadcast_in_dim3A_79 : f32 to vector<16xf32>
      %swap3A_81 = arith.index_cast %scan3A_31 : i32 to index
      %swap3A_82 = arith.constant 112 : index
      %swap3A_83 = tpu.vector_load %arg8[%swap3A_81, %swap3A_82] {strides = array<i32>} : memref<80x128xf32, #tpu.memory_space<vmem>>, vector<1x16xf32>,
      %swap3A_84 = vector.shape_cast %swap3A_83 : vector<1x16xf32> to vector<16xf32>
      %swap3A_85 = vector.shape_cast %broadcast_in_dim3A_80 : vector<16xf32> to vector<1x16xf32>
      tpu.vector_store %arg8[%swap3A_81, %swap3A_82], %swap3A_85 {strides = array<i32>} : memref<80x128xf32, #tpu.memory_space<vmem>>, vector<1x16xf32>,
    }
    %scan3A_5 = arith.constant 80 : i32
    %mul3A_6 = arith.constant 640 : i32
    %mul3A_7 = arith.muli %arg1, %mul3A_6 : i32
    %add3A_8 = arith.constant 0 : i32
    %add3A_9 = arith.addi %mul3A_7, %add3A_8 : i32
    "tpu.region"() ({
      %run_scoped3A = tpu.sem_alloc : memref<!tpu.dma_semaphore, #tpu.memory_space<semaphore_mem>>
      %dma_start3A = arith.constant 0 : i32
      %dma_start3A_31 = tpu.memref_slice %arg9[%add3A_9, %dma_start3A] : memref<10240x128xf32, #tpu.memory_space<vmem_shared>> -> memref<80x128xf32, #tpu.memory_space<vmem_shared>>
      %dma_start3A_32 = arith.constant 0 : i32
      %dma_start3A_33 = tpu.memref_slice %arg9[%add3A_9, %dma_start3A_32] : memref<10240x128xf32, #tpu.memory_space<vmem_shared>> -> memref<80x128xf32, #tpu.memory_space<vmem_shared>>
      tpu.enqueue_dma source(%arg8 : memref<80x128xf32, #tpu.memory_space<vmem>>) target(%dma_start3A_33 : memref<80x128xf32, #tpu.memory_space<vmem_shared>>) target_semaphore(%run_scoped3A : memref<!tpu.dma_semaphore, #tpu.memory_space<semaphore_mem>>)
      %dma_wait3A = arith.constant 0 : i32
      %dma_wait3A_34 = tpu.memref_slice %arg9[%add3A_9, %dma_wait3A] : memref<10240x128xf32, #tpu.memory_space<vmem_shared>> -> memref<80x128xf32, #tpu.memory_space<vmem_shared>>
      %dma_wait3A_35 = arith.constant 0 : i32
      %dma_wait3A_36 = tpu.memref_slice %arg9[%add3A_9, %dma_wait3A_35] : memref<10240x128xf32, #tpu.memory_space<vmem_shared>> -> memref<80x128xf32, #tpu.memory_space<vmem_shared>>
      tpu.wait_dma2 semaphore(%run_scoped3A : memref<!tpu.dma_semaphore, #tpu.memory_space<semaphore_mem>>) src(%arg8 : memref<80x128xf32, #tpu.memory_space<vmem>>) dst(%dma_wait3A_36 : memref<80x128xf32, #tpu.memory_space<vmem_shared>>)
      tpu.yield
    }) : () -> ()
    %add3A_10 = arith.constant 80 : i32
    %add3A_11 = arith.addi %mul3A_7, %add3A_10 : i32
    "tpu.region"() ({
      %run_scoped3A = tpu.sem_alloc : memref<!tpu.dma_semaphore, #tpu.memory_space<semaphore_mem>>
      %dma_start3A = arith.constant 0 : i32
      %dma_start3A_31 = tpu.memref_slice %arg9[%add3A_11, %dma_start3A] : memref<10240x128xf32, #tpu.memory_space<vmem_shared>> -> memref<80x128xf32, #tpu.memory_space<vmem_shared>>
      %dma_start3A_32 = arith.constant 0 : i32
      %dma_start3A_33 = tpu.memref_slice %arg9[%add3A_11, %dma_start3A_32] : memref<10240x128xf32, #tpu.memory_space<vmem_shared>> -> memref<80x128xf32, #tpu.memory_space<vmem_shared>>
      tpu.enqueue_dma source(%arg8 : memref<80x128xf32, #tpu.memory_space<vmem>>) target(%dma_start3A_33 : memref<80x128xf32, #tpu.memory_space<vmem_shared>>) target_semaphore(%run_scoped3A : memref<!tpu.dma_semaphore, #tpu.memory_space<semaphore_mem>>)
      %dma_wait3A = arith.constant 0 : i32
      %dma_wait3A_34 = tpu.memref_slice %arg9[%add3A_11, %dma_wait3A] : memref<10240x128xf32, #tpu.memory_space<vmem_shared>> -> memref<80x128xf32, #tpu.memory_space<vmem_shared>>
      %dma_wait3A_35 = arith.constant 0 : i32
      %dma_wait3A_36 = tpu.memref_slice %arg9[%add3A_11, %dma_wait3A_35] : memref<10240x128xf32, #tpu.memory_space<vmem_shared>> -> memref<80x128xf32, #tpu.memory_space<vmem_shared>>
      tpu.wait_dma2 semaphore(%run_scoped3A : memref<!tpu.dma_semaphore, #tpu.memory_space<semaphore_mem>>) src(%arg8 : memref<80x128xf32, #tpu.memory_space<vmem>>) dst(%dma_wait3A_36 : memref<80x128xf32, #tpu.memory_space<vmem_shared>>)
      tpu.yield
    }) : () -> ()
    %add3A_12 = arith.constant 160 : i32
    %add3A_13 = arith.addi %mul3A_7, %add3A_12 : i32
    "tpu.region"() ({
      %run_scoped3A = tpu.sem_alloc : memref<!tpu.dma_semaphore, #tpu.memory_space<semaphore_mem>>
      %dma_start3A = arith.constant 0 : i32
      %dma_start3A_31 = tpu.memref_slice %arg9[%add3A_13, %dma_start3A] : memref<10240x128xf32, #tpu.memory_space<vmem_shared>> -> memref<80x128xf32, #tpu.memory_space<vmem_shared>>
      %dma_start3A_32 = arith.constant 0 : i32
      %dma_start3A_33 = tpu.memref_slice %arg9[%add3A_13, %dma_start3A_32] : memref<10240x128xf32, #tpu.memory_space<vmem_shared>> -> memref<80x128xf32, #tpu.memory_space<vmem_shared>>
      tpu.enqueue_dma source(%arg8 : memref<80x128xf32, #tpu.memory_space<vmem>>) target(%dma_start3A_33 : memref<80x128xf32, #tpu.memory_space<vmem_shared>>) target_semaphore(%run_scoped3A : memref<!tpu.dma_semaphore, #tpu.memory_space<semaphore_mem>>)
      %dma_wait3A = arith.constant 0 : i32
      %dma_wait3A_34 = tpu.memref_slice %arg9[%add3A_13, %dma_wait3A] : memref<10240x128xf32, #tpu.memory_space<vmem_shared>> -> memref<80x128xf32, #tpu.memory_space<vmem_shared>>
      %dma_wait3A_35 = arith.constant 0 : i32
      %dma_wait3A_36 = tpu.memref_slice %arg9[%add3A_13, %dma_wait3A_35] : memref<10240x128xf32, #tpu.memory_space<vmem_shared>> -> memref<80x128xf32, #tpu.memory_space<vmem_shared>>
      tpu.wait_dma2 semaphore(%run_scoped3A : memref<!tpu.dma_semaphore, #tpu.memory_space<semaphore_mem>>) src(%arg8 : memref<80x128xf32, #tpu.memory_space<vmem>>) dst(%dma_wait3A_36 : memref<80x128xf32, #tpu.memory_space<vmem_shared>>)
      tpu.yield
    }) : () -> ()
    %add3A_14 = arith.constant 240 : i32
    %add3A_15 = arith.addi %mul3A_7, %add3A_14 : i32
    "tpu.region"() ({
      %run_scoped3A = tpu.sem_alloc : memref<!tpu.dma_semaphore, #tpu.memory_space<semaphore_mem>>
      %dma_start3A = arith.constant 0 : i32
      %dma_start3A_31 = tpu.memref_slice %arg9[%add3A_15, %dma_start3A] : memref<10240x128xf32, #tpu.memory_space<vmem_shared>> -> memref<80x128xf32, #tpu.memory_space<vmem_shared>>
      %dma_start3A_32 = arith.constant 0 : i32
      %dma_start3A_33 = tpu.memref_slice %arg9[%add3A_15, %dma_start3A_32] : memref<10240x128xf32, #tpu.memory_space<vmem_shared>> -> memref<80x128xf32, #tpu.memory_space<vmem_shared>>
      tpu.enqueue_dma source(%arg8 : memref<80x128xf32, #tpu.memory_space<vmem>>) target(%dma_start3A_33 : memref<80x128xf32, #tpu.memory_space<vmem_shared>>) target_semaphore(%run_scoped3A : memref<!tpu.dma_semaphore, #tpu.memory_space<semaphore_mem>>)
      %dma_wait3A = arith.constant 0 : i32
      %dma_wait3A_34 = tpu.memref_slice %arg9[%add3A_15, %dma_wait3A] : memref<10240x128xf32, #tpu.memory_space<vmem_shared>> -> memref<80x128xf32, #tpu.memory_space<vmem_shared>>
      %dma_wait3A_35 = arith.constant 0 : i32
      %dma_wait3A_36 = tpu.memref_slice %arg9[%add3A_15, %dma_wait3A_35] : memref<10240x128xf32, #tpu.memory_space<vmem_shared>> -> memref<80x128xf32, #tpu.memory_space<vmem_shared>>
      tpu.wait_dma2 semaphore(%run_scoped3A : memref<!tpu.dma_semaphore, #tpu.memory_space<semaphore_mem>>) src(%arg8 : memref<80x128xf32, #tpu.memory_space<vmem>>) dst(%dma_wait3A_36 : memref<80x128xf32, #tpu.memory_space<vmem_shared>>)
      tpu.yield
    }) : () -> ()
    %add3A_16 = arith.constant 320 : i32
    %add3A_17 = arith.addi %mul3A_7, %add3A_16 : i32
    "tpu.region"() ({
      %run_scoped3A = tpu.sem_alloc : memref<!tpu.dma_semaphore, #tpu.memory_space<semaphore_mem>>
      %dma_start3A = arith.constant 0 : i32
      %dma_start3A_31 = tpu.memref_slice %arg9[%add3A_17, %dma_start3A] : memref<10240x128xf32, #tpu.memory_space<vmem_shared>> -> memref<80x128xf32, #tpu.memory_space<vmem_shared>>
      %dma_start3A_32 = arith.constant 0 : i32
      %dma_start3A_33 = tpu.memref_slice %arg9[%add3A_17, %dma_start3A_32] : memref<10240x128xf32, #tpu.memory_space<vmem_shared>> -> memref<80x128xf32, #tpu.memory_space<vmem_shared>>
      tpu.enqueue_dma source(%arg8 : memref<80x128xf32, #tpu.memory_space<vmem>>) target(%dma_start3A_33 : memref<80x128xf32, #tpu.memory_space<vmem_shared>>) target_semaphore(%run_scoped3A : memref<!tpu.dma_semaphore, #tpu.memory_space<semaphore_mem>>)
      %dma_wait3A = arith.constant 0 : i32
      %dma_wait3A_34 = tpu.memref_slice %arg9[%add3A_17, %dma_wait3A] : memref<10240x128xf32, #tpu.memory_space<vmem_shared>> -> memref<80x128xf32, #tpu.memory_space<vmem_shared>>
      %dma_wait3A_35 = arith.constant 0 : i32
      %dma_wait3A_36 = tpu.memref_slice %arg9[%add3A_17, %dma_wait3A_35] : memref<10240x128xf32, #tpu.memory_space<vmem_shared>> -> memref<80x128xf32, #tpu.memory_space<vmem_shared>>
      tpu.wait_dma2 semaphore(%run_scoped3A : memref<!tpu.dma_semaphore, #tpu.memory_space<semaphore_mem>>) src(%arg8 : memref<80x128xf32, #tpu.memory_space<vmem>>) dst(%dma_wait3A_36 : memref<80x128xf32, #tpu.memory_space<vmem_shared>>)
      tpu.yield
    }) : () -> ()
    %add3A_18 = arith.constant 400 : i32
    %add3A_19 = arith.addi %mul3A_7, %add3A_18 : i32
    "tpu.region"() ({
      %run_scoped3A = tpu.sem_alloc : memref<!tpu.dma_semaphore, #tpu.memory_space<semaphore_mem>>
      %dma_start3A = arith.constant 0 : i32
      %dma_start3A_31 = tpu.memref_slice %arg9[%add3A_19, %dma_start3A] : memref<10240x128xf32, #tpu.memory_space<vmem_shared>> -> memref<80x128xf32, #tpu.memory_space<vmem_shared>>
      %dma_start3A_32 = arith.constant 0 : i32
      %dma_start3A_33 = tpu.memref_slice %arg9[%add3A_19, %dma_start3A_32] : memref<10240x128xf32, #tpu.memory_space<vmem_shared>> -> memref<80x128xf32, #tpu.memory_space<vmem_shared>>
      tpu.enqueue_dma source(%arg8 : memref<80x128xf32, #tpu.memory_space<vmem>>) target(%dma_start3A_33 : memref<80x128xf32, #tpu.memory_space<vmem_shared>>) target_semaphore(%run_scoped3A : memref<!tpu.dma_semaphore, #tpu.memory_space<semaphore_mem>>)
      %dma_wait3A = arith.constant 0 : i32
      %dma_wait3A_34 = tpu.memref_slice %arg9[%add3A_19, %dma_wait3A] : memref<10240x128xf32, #tpu.memory_space<vmem_shared>> -> memref<80x128xf32, #tpu.memory_space<vmem_shared>>
      %dma_wait3A_35 = arith.constant 0 : i32
      %dma_wait3A_36 = tpu.memref_slice %arg9[%add3A_19, %dma_wait3A_35] : memref<10240x128xf32, #tpu.memory_space<vmem_shared>> -> memref<80x128xf32, #tpu.memory_space<vmem_shared>>
      tpu.wait_dma2 semaphore(%run_scoped3A : memref<!tpu.dma_semaphore, #tpu.memory_space<semaphore_mem>>) src(%arg8 : memref<80x128xf32, #tpu.memory_space<vmem>>) dst(%dma_wait3A_36 : memref<80x128xf32, #tpu.memory_space<vmem_shared>>)
      tpu.yield
    }) : () -> ()
    %add3A_20 = arith.constant 480 : i32
    %add3A_21 = arith.addi %mul3A_7, %add3A_20 : i32
    "tpu.region"() ({
      %run_scoped3A = tpu.sem_alloc : memref<!tpu.dma_semaphore, #tpu.memory_space<semaphore_mem>>
      %dma_start3A = arith.constant 0 : i32
      %dma_start3A_31 = tpu.memref_slice %arg9[%add3A_21, %dma_start3A] : memref<10240x128xf32, #tpu.memory_space<vmem_shared>> -> memref<80x128xf32, #tpu.memory_space<vmem_shared>>
      %dma_start3A_32 = arith.constant 0 : i32
      %dma_start3A_33 = tpu.memref_slice %arg9[%add3A_21, %dma_start3A_32] : memref<10240x128xf32, #tpu.memory_space<vmem_shared>> -> memref<80x128xf32, #tpu.memory_space<vmem_shared>>
      tpu.enqueue_dma source(%arg8 : memref<80x128xf32, #tpu.memory_space<vmem>>) target(%dma_start3A_33 : memref<80x128xf32, #tpu.memory_space<vmem_shared>>) target_semaphore(%run_scoped3A : memref<!tpu.dma_semaphore, #tpu.memory_space<semaphore_mem>>)
      %dma_wait3A = arith.constant 0 : i32
      %dma_wait3A_34 = tpu.memref_slice %arg9[%add3A_21, %dma_wait3A] : memref<10240x128xf32, #tpu.memory_space<vmem_shared>> -> memref<80x128xf32, #tpu.memory_space<vmem_shared>>
      %dma_wait3A_35 = arith.constant 0 : i32
      %dma_wait3A_36 = tpu.memref_slice %arg9[%add3A_21, %dma_wait3A_35] : memref<10240x128xf32, #tpu.memory_space<vmem_shared>> -> memref<80x128xf32, #tpu.memory_space<vmem_shared>>
      tpu.wait_dma2 semaphore(%run_scoped3A : memref<!tpu.dma_semaphore, #tpu.memory_space<semaphore_mem>>) src(%arg8 : memref<80x128xf32, #tpu.memory_space<vmem>>) dst(%dma_wait3A_36 : memref<80x128xf32, #tpu.memory_space<vmem_shared>>)
      tpu.yield
    }) : () -> ()
    %add3A_22 = arith.constant 560 : i32
    %add3A_23 = arith.addi %mul3A_7, %add3A_22 : i32
    "tpu.region"() ({
      %run_scoped3A = tpu.sem_alloc : memref<!tpu.dma_semaphore, #tpu.memory_space<semaphore_mem>>
      %dma_start3A = arith.constant 0 : i32
      %dma_start3A_31 = tpu.memref_slice %arg9[%add3A_23, %dma_start3A] : memref<10240x128xf32, #tpu.memory_space<vmem_shared>> -> memref<80x128xf32, #tpu.memory_space<vmem_shared>>
      %dma_start3A_32 = arith.constant 0 : i32
      %dma_start3A_33 = tpu.memref_slice %arg9[%add3A_23, %dma_start3A_32] : memref<10240x128xf32, #tpu.memory_space<vmem_shared>> -> memref<80x128xf32, #tpu.memory_space<vmem_shared>>
      tpu.enqueue_dma source(%arg8 : memref<80x128xf32, #tpu.memory_space<vmem>>) target(%dma_start3A_33 : memref<80x128xf32, #tpu.memory_space<vmem_shared>>) target_semaphore(%run_scoped3A : memref<!tpu.dma_semaphore, #tpu.memory_space<semaphore_mem>>)
      %dma_wait3A = arith.constant 0 : i32
      %dma_wait3A_34 = tpu.memref_slice %arg9[%add3A_23, %dma_wait3A] : memref<10240x128xf32, #tpu.memory_space<vmem_shared>> -> memref<80x128xf32, #tpu.memory_space<vmem_shared>>
      %dma_wait3A_35 = arith.constant 0 : i32
      %dma_wait3A_36 = tpu.memref_slice %arg9[%add3A_23, %dma_wait3A_35] : memref<10240x128xf32, #tpu.memory_space<vmem_shared>> -> memref<80x128xf32, #tpu.memory_space<vmem_shared>>
      tpu.wait_dma2 semaphore(%run_scoped3A : memref<!tpu.dma_semaphore, #tpu.memory_space<semaphore_mem>>) src(%arg8 : memref<80x128xf32, #tpu.memory_space<vmem>>) dst(%dma_wait3A_36 : memref<80x128xf32, #tpu.memory_space<vmem_shared>>)
      tpu.yield
    }) : () -> ()
    "tpu.region"() ({
      %run_scoped3A = tpu.sem_alloc : memref<!tpu.dma_semaphore, #tpu.memory_space<semaphore_mem>>
      %dma_start3A = arith.constant 0 : i32
      %dma_start3A_31 = arith.constant 0 : i32
      %dma_start3A_32 = tpu.memref_slice %arg3[%add3A, %dma_start3A, %dma_start3A_31] : memref<32x125x80xi32, #tpu.memory_space<hbm>> -> memref<1x125x80xi32, #tpu.memory_space<hbm>>
      %dma_start3A_33 = tpu.memref_squeeze %dma_start3A_32 : memref<1x125x80xi32, #tpu.memory_space<hbm>> -> memref<125x80xi32, #tpu.memory_space<hbm>>
      %dma_start3A_34 = arith.constant 0 : i32
      %dma_start3A_35 = arith.constant 0 : i32
      %dma_start3A_36 = tpu.memref_slice %arg3[%add3A, %dma_start3A_34, %dma_start3A_35] : memref<32x125x80xi32, #tpu.memory_space<hbm>> -> memref<1x125x80xi32, #tpu.memory_space<hbm>>
      %dma_start3A_37 = tpu.memref_squeeze %dma_start3A_36 : memref<1x125x80xi32, #tpu.memory_space<hbm>> -> memref<125x80xi32, #tpu.memory_space<hbm>>
      tpu.enqueue_dma source(%dma_start3A_37 : memref<125x80xi32, #tpu.memory_space<hbm>>) target(%arg6 : memref<125x80xi32, #tpu.memory_space<vmem>>) target_semaphore(%run_scoped3A : memref<!tpu.dma_semaphore, #tpu.memory_space<semaphore_mem>>)
      %dma_wait3A = arith.constant 0 : i32
      %dma_wait3A_38 = arith.constant 0 : i32
      %dma_wait3A_39 = tpu.memref_slice %arg3[%add3A, %dma_wait3A, %dma_wait3A_38] : memref<32x125x80xi32, #tpu.memory_space<hbm>> -> memref<1x125x80xi32, #tpu.memory_space<hbm>>
      %dma_wait3A_40 = tpu.memref_squeeze %dma_wait3A_39 : memref<1x125x80xi32, #tpu.memory_space<hbm>> -> memref<125x80xi32, #tpu.memory_space<hbm>>
      %dma_wait3A_41 = arith.constant 0 : i32
      %dma_wait3A_42 = arith.constant 0 : i32
      %dma_wait3A_43 = tpu.memref_slice %arg3[%add3A, %dma_wait3A_41, %dma_wait3A_42] : memref<32x125x80xi32, #tpu.memory_space<hbm>> -> memref<1x125x80xi32, #tpu.memory_space<hbm>>
      %dma_wait3A_44 = tpu.memref_squeeze %dma_wait3A_43 : memref<1x125x80xi32, #tpu.memory_space<hbm>> -> memref<125x80xi32, #tpu.memory_space<hbm>>
      tpu.wait_dma2 semaphore(%run_scoped3A : memref<!tpu.dma_semaphore, #tpu.memory_space<semaphore_mem>>) src(%dma_wait3A_44 : memref<125x80xi32, #tpu.memory_space<hbm>>) dst(%arg6 : memref<125x80xi32, #tpu.memory_space<vmem>>)
      tpu.yield
    }) : () -> ()
    "tpu.region"() ({
      %run_scoped3A = tpu.sem_alloc : memref<!tpu.dma_semaphore, #tpu.memory_space<semaphore_mem>>
      %dma_start3A = arith.constant 0 : i32
      %dma_start3A_31 = arith.constant 0 : i32
      %dma_start3A_32 = tpu.memref_slice %arg4[%add3A, %dma_start3A, %dma_start3A_31] : memref<32x125x80xi32, #tpu.memory_space<hbm>> -> memref<1x125x80xi32, #tpu.memory_space<hbm>>
      %dma_start3A_33 = tpu.memref_squeeze %dma_start3A_32 : memref<1x125x80xi32, #tpu.memory_space<hbm>> -> memref<125x80xi32, #tpu.memory_space<hbm>>
      %dma_start3A_34 = arith.constant 0 : i32
      %dma_start3A_35 = arith.constant 0 : i32
      %dma_start3A_36 = tpu.memref_slice %arg4[%add3A, %dma_start3A_34, %dma_start3A_35] : memref<32x125x80xi32, #tpu.memory_space<hbm>> -> memref<1x125x80xi32, #tpu.memory_space<hbm>>
      %dma_start3A_37 = tpu.memref_squeeze %dma_start3A_36 : memref<1x125x80xi32, #tpu.memory_space<hbm>> -> memref<125x80xi32, #tpu.memory_space<hbm>>
      tpu.enqueue_dma source(%dma_start3A_37 : memref<125x80xi32, #tpu.memory_space<hbm>>) target(%arg7 : memref<125x80xi32, #tpu.memory_space<vmem>>) target_semaphore(%run_scoped3A : memref<!tpu.dma_semaphore, #tpu.memory_space<semaphore_mem>>)
      %dma_wait3A = arith.constant 0 : i32
      %dma_wait3A_38 = arith.constant 0 : i32
      %dma_wait3A_39 = tpu.memref_slice %arg4[%add3A, %dma_wait3A, %dma_wait3A_38] : memref<32x125x80xi32, #tpu.memory_space<hbm>> -> memref<1x125x80xi32, #tpu.memory_space<hbm>>
      %dma_wait3A_40 = tpu.memref_squeeze %dma_wait3A_39 : memref<1x125x80xi32, #tpu.memory_space<hbm>> -> memref<125x80xi32, #tpu.memory_space<hbm>>
      %dma_wait3A_41 = arith.constant 0 : i32
      %dma_wait3A_42 = arith.constant 0 : i32
      %dma_wait3A_43 = tpu.memref_slice %arg4[%add3A, %dma_wait3A_41, %dma_wait3A_42] : memref<32x125x80xi32, #tpu.memory_space<hbm>> -> memref<1x125x80xi32, #tpu.memory_space<hbm>>
      %dma_wait3A_44 = tpu.memref_squeeze %dma_wait3A_43 : memref<1x125x80xi32, #tpu.memory_space<hbm>> -> memref<125x80xi32, #tpu.memory_space<hbm>>
      tpu.wait_dma2 semaphore(%run_scoped3A : memref<!tpu.dma_semaphore, #tpu.memory_space<semaphore_mem>>) src(%dma_wait3A_44 : memref<125x80xi32, #tpu.memory_space<hbm>>) dst(%arg7 : memref<125x80xi32, #tpu.memory_space<vmem>>)
      tpu.yield
    }) : () -> ()
    %barrier3A = arith.constant 0 : index
    tpu.barrier barrier_id(%barrier3A)
    %scan3A_24 = arith.constant 0 : i32
    %scan3A_25 = arith.constant 0 : i32
    %scan3A_26 = arith.constant 125 : i32
    %scan3A_27 = arith.addi %scan3A_25, %scan3A_26 : i32
    %scan3A_28 = arith.constant 1 : i32
    scf.for %scan3A_31 = %scan3A_25 to %scan3A_27 step %scan3A_28  : i32 {
      "tpu.region"() ({
        %run_scoped3A = tpu.sem_alloc : memref<!tpu.dma_semaphore, #tpu.memory_space<semaphore_mem>>
        %dma_start3A = arith.constant 0 : i32
        %dma_start3A_32 = tpu.memref_slice %arg6[%scan3A_31, %dma_start3A] : memref<125x80xi32, #tpu.memory_space<vmem>> -> memref<1x80xi32, #tpu.memory_space<vmem>>
        %dma_start3A_33 = tpu.memref_squeeze %dma_start3A_32 : memref<1x80xi32, #tpu.memory_space<vmem>> -> memref<80xi32, #tpu.memory_space<vmem>>
        %dma_start3A_34 = arith.constant 0 : i32
        %dma_start3A_35 = arith.constant 0 : i32
        %dma_start3A_36 = tpu.memref_slice %arg2[%dma_start3A_34, %dma_start3A_35] : memref<10000x128xf32, #tpu.memory_space<hbm>> -> memref<10000x128xf32, #tpu.memory_space<hbm>>
        tpu.enqueue_indirect_dma source(%dma_start3A_36 : memref<10000x128xf32, #tpu.memory_space<hbm>>) target(%arg8 : memref<80x128xf32, #tpu.memory_space<vmem>>) offsets(%dma_start3A_33 : memref<80xi32, #tpu.memory_space<vmem>>) semaphore(%run_scoped3A : memref<!tpu.dma_semaphore, #tpu.memory_space<semaphore_mem>>)
        %dma_wait3A = arith.constant 0 : i32
        %dma_wait3A_37 = tpu.memref_slice %arg6[%scan3A_31, %dma_wait3A] : memref<125x80xi32, #tpu.memory_space<vmem>> -> memref<1x80xi32, #tpu.memory_space<vmem>>
        %dma_wait3A_38 = tpu.memref_squeeze %dma_wait3A_37 : memref<1x80xi32, #tpu.memory_space<vmem>> -> memref<80xi32, #tpu.memory_space<vmem>>
        %dma_wait3A_39 = arith.constant 0 : i32
        %dma_wait3A_40 = arith.constant 0 : i32
        %dma_wait3A_41 = tpu.memref_slice %arg2[%dma_wait3A_39, %dma_wait3A_40] : memref<10000x128xf32, #tpu.memory_space<hbm>> -> memref<10000x128xf32, #tpu.memory_space<hbm>>
        tpu.wait_indirect_dma semaphore(%run_scoped3A : memref<!tpu.dma_semaphore, #tpu.memory_space<semaphore_mem>>) src(%dma_wait3A_41 : memref<10000x128xf32, #tpu.memory_space<hbm>>) dst(%arg8 : memref<80x128xf32, #tpu.memory_space<vmem>>)
        tpu.yield
      }) : () -> ()
      "tpu.region"() ({
        %run_scoped3A = tpu.sem_alloc : memref<!tpu.dma_semaphore, #tpu.memory_space<semaphore_mem>>
        %dma_start3A = arith.constant 0 : i32
        %dma_start3A_32 = tpu.memref_slice %arg7[%scan3A_31, %dma_start3A] : memref<125x80xi32, #tpu.memory_space<vmem>> -> memref<1x80xi32, #tpu.memory_space<vmem>>
        %dma_start3A_33 = tpu.memref_squeeze %dma_start3A_32 : memref<1x80xi32, #tpu.memory_space<vmem>> -> memref<80xi32, #tpu.memory_space<vmem>>
        %dma_start3A_34 = arith.constant 0 : i32
        %dma_start3A_35 = arith.constant 0 : i32
        %dma_start3A_36 = tpu.memref_slice %arg9[%dma_start3A_34, %dma_start3A_35] : memref<10240x128xf32, #tpu.memory_space<vmem_shared>> -> memref<10240x128xf32, #tpu.memory_space<vmem_shared>>
        tpu.enqueue_indirect_dma source(%arg8 : memref<80x128xf32, #tpu.memory_space<vmem>>) target(%dma_start3A_36 : memref<10240x128xf32, #tpu.memory_space<vmem_shared>>) offsets(%dma_start3A_33 : memref<80xi32, #tpu.memory_space<vmem>>) semaphore(%run_scoped3A : memref<!tpu.dma_semaphore, #tpu.memory_space<semaphore_mem>>) {add = true}
        %dma_wait3A = arith.constant 0 : i32
        %dma_wait3A_37 = tpu.memref_slice %arg7[%scan3A_31, %dma_wait3A] : memref<125x80xi32, #tpu.memory_space<vmem>> -> memref<1x80xi32, #tpu.memory_space<vmem>>
        %dma_wait3A_38 = tpu.memref_squeeze %dma_wait3A_37 : memref<1x80xi32, #tpu.memory_space<vmem>> -> memref<80xi32, #tpu.memory_space<vmem>>
        %dma_wait3A_39 = arith.constant 0 : i32
        %dma_wait3A_40 = arith.constant 0 : i32
        %dma_wait3A_41 = tpu.memref_slice %arg9[%dma_wait3A_39, %dma_wait3A_40] : memref<10240x128xf32, #tpu.memory_space<vmem_shared>> -> memref<10240x128xf32, #tpu.memory_space<vmem_shared>>
        tpu.wait_indirect_dma semaphore(%run_scoped3A : memref<!tpu.dma_semaphore, #tpu.memory_space<semaphore_mem>>) src(%arg8 : memref<80x128xf32, #tpu.memory_space<vmem>>) dst(%dma_wait3A_41 : memref<10240x128xf32, #tpu.memory_space<vmem_shared>>)
        tpu.yield
      }) : () -> ()
    }
    %scan3A_29 = arith.constant 125 : i32
    %barrier3A_30 = arith.constant 0 : index
    tpu.barrier barrier_id(%barrier3A_30)
    "tpu.region"() ({
      %run_scoped3A = tpu.sem_alloc : memref<!tpu.dma_semaphore, #tpu.memory_space<semaphore_mem>>
      %dma_start3A = arith.constant 0 : i32
      %dma_start3A_31 = tpu.memref_slice %arg5[%arg0, %mul3A_7, %dma_start3A] : memref<2x10240x128xf32, #tpu.memory_space<hbm>> -> memref<1x640x128xf32, #tpu.memory_space<hbm>>
      %dma_start3A_32 = tpu.memref_squeeze %dma_start3A_31 : memref<1x640x128xf32, #tpu.memory_space<hbm>> -> memref<640x128xf32, #tpu.memory_space<hbm>>
      %dma_start3A_33 = arith.constant 0 : i32
      %dma_start3A_34 = tpu.memref_slice %arg9[%mul3A_7, %dma_start3A_33] : memref<10240x128xf32, #tpu.memory_space<vmem_shared>> -> memref<640x128xf32, #tpu.memory_space<vmem_shared>>
      tpu.enqueue_dma source(%dma_start3A_34 : memref<640x128xf32, #tpu.memory_space<vmem_shared>>) target(%dma_start3A_32 : memref<640x128xf32, #tpu.memory_space<hbm>>) target_semaphore(%run_scoped3A : memref<!tpu.dma_semaphore, #tpu.memory_space<semaphore_mem>>)
      %dma_wait3A = arith.constant 0 : i32
      %dma_wait3A_35 = tpu.memref_slice %arg5[%arg0, %mul3A_7, %dma_wait3A] : memref<2x10240x128xf32, #tpu.memory_space<hbm>> -> memref<1x640x128xf32, #tpu.memory_space<hbm>>
      %dma_wait3A_36 = tpu.memref_squeeze %dma_wait3A_35 : memref<1x640x128xf32, #tpu.memory_space<hbm>> -> memref<640x128xf32, #tpu.memory_space<hbm>>
      %dma_wait3A_37 = arith.constant 0 : i32
      %dma_wait3A_38 = tpu.memref_slice %arg9[%mul3A_7, %dma_wait3A_37] : memref<10240x128xf32, #tpu.memory_space<vmem_shared>> -> memref<640x128xf32, #tpu.memory_space<vmem_shared>>
      tpu.wait_dma2 semaphore(%run_scoped3A : memref<!tpu.dma_semaphore, #tpu.memory_space<semaphore_mem>>) src(%dma_wait3A_38 : memref<640x128xf32, #tpu.memory_space<vmem_shared>>) dst(%dma_wait3A_36 : memref<640x128xf32, #tpu.memory_space<hbm>>)
      tpu.yield
    }) : () -> ()
    return
  }
}

#map = affine_map<(d0, d1) -> (0, 0)>
#map1 = affine_map<(d0, d1) -> (0, 0, 0)>
module attributes {stable_mosaic.version = 14 : i64} {
  func.func @_scatter_kernel(%arg0: i32, %arg1: i32, %arg2: memref<10000x128xf32, #tpu.memory_space<hbm>>, %arg3: memref<32x125x80xi32, #tpu.memory_space<hbm>>, %arg4: memref<32x125x80xi32, #tpu.memory_space<hbm>>, %arg5: memref<2x10240x128xf32, #tpu.memory_space<hbm>>, %arg6: memref<125x80xi32, #tpu.memory_space<vmem>>, %arg7: memref<125x80xi32, #tpu.memory_space<vmem>>, %arg8: memref<80x128xf32, #tpu.memory_space<vmem>>, %arg9: memref<10240x128xf32, #tpu.memory_space<vmem_shared>>) attributes {dimension_semantics = [#tpu.dimension_semantics<core_parallel>, #tpu.dimension_semantics<subcore_parallel>], iteration_bounds = array<i64: 2, 16>, scalar_prefetch = 0 : i64, scratch_operands = 4 : i64, tpu.core_type = #tpu.core_type<sc_vector_subcore>, window_params = [{transform_indices = #map}, {transform_indices = #map1}, {transform_indices = #map1}, {transform_indices = #map1}]} {
    %mul3A = arith.constant 2 : i32
    %mul3A_0 = arith.muli %arg1, %mul3A : i32
    %add3A = arith.addi %mul3A_0, %arg0 : i32
    %scan3A = arith.constant 0 : i32
    %scan3A_1 = arith.constant 0 : i32
    %scan3A_2 = arith.constant 80 : i32
    %scan3A_3 = arith.addi %scan3A_1, %scan3A_2 : i32
    %scan3A_4 = arith.constant 1 : i32
    scf.for %scan3A_31 = %scan3A_1 to %scan3A_3 step %scan3A_4  : i32 {
      %broadcast_in_dim3A = arith.constant 0.000000e+00 : f32
      %broadcast_in_dim3A_32 = vector.broadcast %broadcast_in_dim3A : f32 to vector<16xf32>
      %swap3A = arith.index_cast %scan3A_31 : i32 to index
      %swap3A_33 = arith.constant 0 : index
      %swap3A_34 = tpu.vector_load %arg8[%swap3A, %swap3A_33] {strides = array<i32>} : memref<80x128xf32, #tpu.memory_space<vmem>>, vector<1x16xf32>,
      %swap3A_35 = vector.shape_cast %swap3A_34 : vector<1x16xf32> to vector<16xf32>
      %swap3A_36 = vector.shape_cast %broadcast_in_dim3A_32 : vector<16xf32> to vector<1x16xf32>
      tpu.vector_store %arg8[%swap3A, %swap3A_33], %swap3A_36 {strides = array<i32>} : memref<80x128xf32, #tpu.memory_space<vmem>>, vector<1x16xf32>,
      %broadcast_in_dim3A_37 = arith.constant 0.000000e+00 : f32
      %broadcast_in_dim3A_38 = vector.broadcast %broadcast_in_dim3A_37 : f32 to vector<16xf32>
      %swap3A_39 = arith.index_cast %scan3A_31 : i32 to index
      %swap3A_40 = arith.constant 16 : index
      %swap3A_41 = tpu.vector_load %arg8[%swap3A_39, %swap3A_40] {strides = array<i32>} : memref<80x128xf32, #tpu.memory_space<vmem>>, vector<1x16xf32>,
      %swap3A_42 = vector.shape_cast %swap3A_41 : vector<1x16xf32> to vector<16xf32>
      %swap3A_43 = vector.shape_cast %broadcast_in_dim3A_38 : vector<16xf32> to vector<1x16xf32>
      tpu.vector_store %arg8[%swap3A_39, %swap3A_40], %swap3A_43 {strides = array<i32>} : memref<80x128xf32, #tpu.memory_space<vmem>>, vector<1x16xf32>,
      %broadcast_in_dim3A_44 = arith.constant 0.000000e+00 : f32
      %broadcast_in_dim3A_45 = vector.broadcast %broadcast_in_dim3A_44 : f32 to vector<16xf32>
      %swap3A_46 = arith.index_cast %scan3A_31 : i32 to index
      %swap3A_47 = arith.constant 32 : index
      %swap3A_48 = tpu.vector_load %arg8[%swap3A_46, %swap3A_47] {strides = array<i32>} : memref<80x128xf32, #tpu.memory_space<vmem>>, vector<1x16xf32>,
      %swap3A_49 = vector.shape_cast %swap3A_48 : vector<1x16xf32> to vector<16xf32>
      %swap3A_50 = vector.shape_cast %broadcast_in_dim3A_45 : vector<16xf32> to vector<1x16xf32>
      tpu.vector_store %arg8[%swap3A_46, %swap3A_47], %swap3A_50 {strides = array<i32>} : memref<80x128xf32, #tpu.memory_space<vmem>>, vector<1x16xf32>,
      %broadcast_in_dim3A_51 = arith.constant 0.000000e+00 : f32
      %broadcast_in_dim3A_52 = vector.broadcast %broadcast_in_dim3A_51 : f32 to vector<16xf32>
      %swap3A_53 = arith.index_cast %scan3A_31 : i32 to index
      %swap3A_54 = arith.constant 48 : index
      %swap3A_55 = tpu.vector_load %arg8[%swap3A_53, %swap3A_54] {strides = array<i32>} : memref<80x128xf32, #tpu.memory_space<vmem>>, vector<1x16xf32>,
      %swap3A_56 = vector.shape_cast %swap3A_55 : vector<1x16xf32> to vector<16xf32>
      %swap3A_57 = vector.shape_cast %broadcast_in_dim3A_52 : vector<16xf32> to vector<1x16xf32>
      tpu.vector_store %arg8[%swap3A_53, %swap3A_54], %swap3A_57 {strides = array<i32>} : memref<80x128xf32, #tpu.memory_space<vmem>>, vector<1x16xf32>,
      %broadcast_in_dim3A_58 = arith.constant 0.000000e+00 : f32
      %broadcast_in_dim3A_59 = vector.broadcast %broadcast_in_dim3A_58 : f32 to vector<16xf32>
      %swap3A_60 = arith.index_cast %scan3A_31 : i32 to index
      %swap3A_61 = arith.constant 64 : index
      %swap3A_62 = tpu.vector_load %arg8[%swap3A_60, %swap3A_61] {strides = array<i32>} : memref<80x128xf32, #tpu.memory_space<vmem>>, vector<1x16xf32>,
      %swap3A_63 = vector.shape_cast %swap3A_62 : vector<1x16xf32> to vector<16xf32>
      %swap3A_64 = vector.shape_cast %broadcast_in_dim3A_59 : vector<16xf32> to vector<1x16xf32>
      tpu.vector_store %arg8[%swap3A_60, %swap3A_61], %swap3A_64 {strides = array<i32>} : memref<80x128xf32, #tpu.memory_space<vmem>>, vector<1x16xf32>,
      %broadcast_in_dim3A_65 = arith.constant 0.000000e+00 : f32
      %broadcast_in_dim3A_66 = vector.broadcast %broadcast_in_dim3A_65 : f32 to vector<16xf32>
      %swap3A_67 = arith.index_cast %scan3A_31 : i32 to index
      %swap3A_68 = arith.constant 80 : index
      %swap3A_69 = tpu.vector_load %arg8[%swap3A_67, %swap3A_68] {strides = array<i32>} : memref<80x128xf32, #tpu.memory_space<vmem>>, vector<1x16xf32>,
      %swap3A_70 = vector.shape_cast %swap3A_69 : vector<1x16xf32> to vector<16xf32>
      %swap3A_71 = vector.shape_cast %broadcast_in_dim3A_66 : vector<16xf32> to vector<1x16xf32>
      tpu.vector_store %arg8[%swap3A_67, %swap3A_68], %swap3A_71 {strides = array<i32>} : memref<80x128xf32, #tpu.memory_space<vmem>>, vector<1x16xf32>,
      %broadcast_in_dim3A_72 = arith.constant 0.000000e+00 : f32
      %broadcast_in_dim3A_73 = vector.broadcast %broadcast_in_dim3A_72 : f32 to vector<16xf32>
      %swap3A_74 = arith.index_cast %scan3A_31 : i32 to index
      %swap3A_75 = arith.constant 96 : index
      %swap3A_76 = tpu.vector_load %arg8[%swap3A_74, %swap3A_75] {strides = array<i32>} : memref<80x128xf32, #tpu.memory_space<vmem>>, vector<1x16xf32>,
      %swap3A_77 = vector.shape_cast %swap3A_76 : vector<1x16xf32> to vector<16xf32>
      %swap3A_78 = vector.shape_cast %broadcast_in_dim3A_73 : vector<16xf32> to vector<1x16xf32>
      tpu.vector_store %arg8[%swap3A_74, %swap3A_75], %swap3A_78 {strides = array<i32>} : memref<80x128xf32, #tpu.memory_space<vmem>>, vector<1x16xf32>,
      %broadcast_in_dim3A_79 = arith.constant 0.000000e+00 : f32
      %broadcast_in_dim3A_80 = vector.broadcast %broadcast_in_dim3A_79 : f32 to vector<16xf32>
      %swap3A_81 = arith.index_cast %scan3A_31 : i32 to index
      %swap3A_82 = arith.constant 112 : index
      %swap3A_83 = tpu.vector_load %arg8[%swap3A_81, %swap3A_82] {strides = array<i32>} : memref<80x128xf32, #tpu.memory_space<vmem>>, vector<1x16xf32>,
      %swap3A_84 = vector.shape_cast %swap3A_83 : vector<1x16xf32> to vector<16xf32>
      %swap3A_85 = vector.shape_cast %broadcast_in_dim3A_80 : vector<16xf32> to vector<1x16xf32>
      tpu.vector_store %arg8[%swap3A_81, %swap3A_82], %swap3A_85 {strides = array<i32>} : memref<80x128xf32, #tpu.memory_space<vmem>>, vector<1x16xf32>,
    }
    %scan3A_5 = arith.constant 80 : i32
    %mul3A_6 = arith.constant 640 : i32
    %mul3A_7 = arith.muli %arg1, %mul3A_6 : i32
    %add3A_8 = arith.constant 0 : i32
    %add3A_9 = arith.addi %mul3A_7, %add3A_8 : i32
    "tpu.region"() ({
      %run_scoped3A = tpu.sem_alloc : memref<!tpu.dma_semaphore, #tpu.memory_space<semaphore_mem>>
      %dma_start3A = arith.constant 0 : i32
      %dma_start3A_31 = tpu.memref_slice %arg9[%add3A_9, %dma_start3A] : memref<10240x128xf32, #tpu.memory_space<vmem_shared>> -> memref<80x128xf32, #tpu.memory_space<vmem_shared>>
      %dma_start3A_32 = arith.constant 0 : i32
      %dma_start3A_33 = tpu.memref_slice %arg9[%add3A_9, %dma_start3A_32] : memref<10240x128xf32, #tpu.memory_space<vmem_shared>> -> memref<80x128xf32, #tpu.memory_space<vmem_shared>>
      tpu.enqueue_dma source(%arg8 : memref<80x128xf32, #tpu.memory_space<vmem>>) target(%dma_start3A_33 : memref<80x128xf32, #tpu.memory_space<vmem_shared>>) target_semaphore(%run_scoped3A : memref<!tpu.dma_semaphore, #tpu.memory_space<semaphore_mem>>)
      %dma_wait3A = arith.constant 0 : i32
      %dma_wait3A_34 = tpu.memref_slice %arg9[%add3A_9, %dma_wait3A] : memref<10240x128xf32, #tpu.memory_space<vmem_shared>> -> memref<80x128xf32, #tpu.memory_space<vmem_shared>>
      %dma_wait3A_35 = arith.constant 0 : i32
      %dma_wait3A_36 = tpu.memref_slice %arg9[%add3A_9, %dma_wait3A_35] : memref<10240x128xf32, #tpu.memory_space<vmem_shared>> -> memref<80x128xf32, #tpu.memory_space<vmem_shared>>
      tpu.wait_dma2 semaphore(%run_scoped3A : memref<!tpu.dma_semaphore, #tpu.memory_space<semaphore_mem>>) src(%arg8 : memref<80x128xf32, #tpu.memory_space<vmem>>) dst(%dma_wait3A_36 : memref<80x128xf32, #tpu.memory_space<vmem_shared>>)
      tpu.yield
    }) : () -> ()
    %add3A_10 = arith.constant 80 : i32
    %add3A_11 = arith.addi %mul3A_7, %add3A_10 : i32
    "tpu.region"() ({
      %run_scoped3A = tpu.sem_alloc : memref<!tpu.dma_semaphore, #tpu.memory_space<semaphore_mem>>
      %dma_start3A = arith.constant 0 : i32
      %dma_start3A_31 = tpu.memref_slice %arg9[%add3A_11, %dma_start3A] : memref<10240x128xf32, #tpu.memory_space<vmem_shared>> -> memref<80x128xf32, #tpu.memory_space<vmem_shared>>
      %dma_start3A_32 = arith.constant 0 : i32
      %dma_start3A_33 = tpu.memref_slice %arg9[%add3A_11, %dma_start3A_32] : memref<10240x128xf32, #tpu.memory_space<vmem_shared>> -> memref<80x128xf32, #tpu.memory_space<vmem_shared>>
      tpu.enqueue_dma source(%arg8 : memref<80x128xf32, #tpu.memory_space<vmem>>) target(%dma_start3A_33 : memref<80x128xf32, #tpu.memory_space<vmem_shared>>) target_semaphore(%run_scoped3A : memref<!tpu.dma_semaphore, #tpu.memory_space<semaphore_mem>>)
      %dma_wait3A = arith.constant 0 : i32
      %dma_wait3A_34 = tpu.memref_slice %arg9[%add3A_11, %dma_wait3A] : memref<10240x128xf32, #tpu.memory_space<vmem_shared>> -> memref<80x128xf32, #tpu.memory_space<vmem_shared>>
      %dma_wait3A_35 = arith.constant 0 : i32
      %dma_wait3A_36 = tpu.memref_slice %arg9[%add3A_11, %dma_wait3A_35] : memref<10240x128xf32, #tpu.memory_space<vmem_shared>> -> memref<80x128xf32, #tpu.memory_space<vmem_shared>>
      tpu.wait_dma2 semaphore(%run_scoped3A : memref<!tpu.dma_semaphore, #tpu.memory_space<semaphore_mem>>) src(%arg8 : memref<80x128xf32, #tpu.memory_space<vmem>>) dst(%dma_wait3A_36 : memref<80x128xf32, #tpu.memory_space<vmem_shared>>)
      tpu.yield
    }) : () -> ()
    %add3A_12 = arith.constant 160 : i32
    %add3A_13 = arith.addi %mul3A_7, %add3A_12 : i32
    "tpu.region"() ({
      %run_scoped3A = tpu.sem_alloc : memref<!tpu.dma_semaphore, #tpu.memory_space<semaphore_mem>>
      %dma_start3A = arith.constant 0 : i32
      %dma_start3A_31 = tpu.memref_slice %arg9[%add3A_13, %dma_start3A] : memref<10240x128xf32, #tpu.memory_space<vmem_shared>> -> memref<80x128xf32, #tpu.memory_space<vmem_shared>>
      %dma_start3A_32 = arith.constant 0 : i32
      %dma_start3A_33 = tpu.memref_slice %arg9[%add3A_13, %dma_start3A_32] : memref<10240x128xf32, #tpu.memory_space<vmem_shared>> -> memref<80x128xf32, #tpu.memory_space<vmem_shared>>
      tpu.enqueue_dma source(%arg8 : memref<80x128xf32, #tpu.memory_space<vmem>>) target(%dma_start3A_33 : memref<80x128xf32, #tpu.memory_space<vmem_shared>>) target_semaphore(%run_scoped3A : memref<!tpu.dma_semaphore, #tpu.memory_space<semaphore_mem>>)
      %dma_wait3A = arith.constant 0 : i32
      %dma_wait3A_34 = tpu.memref_slice %arg9[%add3A_13, %dma_wait3A] : memref<10240x128xf32, #tpu.memory_space<vmem_shared>> -> memref<80x128xf32, #tpu.memory_space<vmem_shared>>
      %dma_wait3A_35 = arith.constant 0 : i32
      %dma_wait3A_36 = tpu.memref_slice %arg9[%add3A_13, %dma_wait3A_35] : memref<10240x128xf32, #tpu.memory_space<vmem_shared>> -> memref<80x128xf32, #tpu.memory_space<vmem_shared>>
      tpu.wait_dma2 semaphore(%run_scoped3A : memref<!tpu.dma_semaphore, #tpu.memory_space<semaphore_mem>>) src(%arg8 : memref<80x128xf32, #tpu.memory_space<vmem>>) dst(%dma_wait3A_36 : memref<80x128xf32, #tpu.memory_space<vmem_shared>>)
      tpu.yield
    }) : () -> ()
    %add3A_14 = arith.constant 240 : i32
    %add3A_15 = arith.addi %mul3A_7, %add3A_14 : i32
    "tpu.region"() ({
      %run_scoped3A = tpu.sem_alloc : memref<!tpu.dma_semaphore, #tpu.memory_space<semaphore_mem>>
      %dma_start3A = arith.constant 0 : i32
      %dma_start3A_31 = tpu.memref_slice %arg9[%add3A_15, %dma_start3A] : memref<10240x128xf32, #tpu.memory_space<vmem_shared>> -> memref<80x128xf32, #tpu.memory_space<vmem_shared>>
      %dma_start3A_32 = arith.constant 0 : i32
      %dma_start3A_33 = tpu.memref_slice %arg9[%add3A_15, %dma_start3A_32] : memref<10240x128xf32, #tpu.memory_space<vmem_shared>> -> memref<80x128xf32, #tpu.memory_space<vmem_shared>>
      tpu.enqueue_dma source(%arg8 : memref<80x128xf32, #tpu.memory_space<vmem>>) target(%dma_start3A_33 : memref<80x128xf32, #tpu.memory_space<vmem_shared>>) target_semaphore(%run_scoped3A : memref<!tpu.dma_semaphore, #tpu.memory_space<semaphore_mem>>)
      %dma_wait3A = arith.constant 0 : i32
      %dma_wait3A_34 = tpu.memref_slice %arg9[%add3A_15, %dma_wait3A] : memref<10240x128xf32, #tpu.memory_space<vmem_shared>> -> memref<80x128xf32, #tpu.memory_space<vmem_shared>>
      %dma_wait3A_35 = arith.constant 0 : i32
      %dma_wait3A_36 = tpu.memref_slice %arg9[%add3A_15, %dma_wait3A_35] : memref<10240x128xf32, #tpu.memory_space<vmem_shared>> -> memref<80x128xf32, #tpu.memory_space<vmem_shared>>
      tpu.wait_dma2 semaphore(%run_scoped3A : memref<!tpu.dma_semaphore, #tpu.memory_space<semaphore_mem>>) src(%arg8 : memref<80x128xf32, #tpu.memory_space<vmem>>) dst(%dma_wait3A_36 : memref<80x128xf32, #tpu.memory_space<vmem_shared>>)
      tpu.yield
    }) : () -> ()
    %add3A_16 = arith.constant 320 : i32
    %add3A_17 = arith.addi %mul3A_7, %add3A_16 : i32
    "tpu.region"() ({
      %run_scoped3A = tpu.sem_alloc : memref<!tpu.dma_semaphore, #tpu.memory_space<semaphore_mem>>
      %dma_start3A = arith.constant 0 : i32
      %dma_start3A_31 = tpu.memref_slice %arg9[%add3A_17, %dma_start3A] : memref<10240x128xf32, #tpu.memory_space<vmem_shared>> -> memref<80x128xf32, #tpu.memory_space<vmem_shared>>
      %dma_start3A_32 = arith.constant 0 : i32
      %dma_start3A_33 = tpu.memref_slice %arg9[%add3A_17, %dma_start3A_32] : memref<10240x128xf32, #tpu.memory_space<vmem_shared>> -> memref<80x128xf32, #tpu.memory_space<vmem_shared>>
      tpu.enqueue_dma source(%arg8 : memref<80x128xf32, #tpu.memory_space<vmem>>) target(%dma_start3A_33 : memref<80x128xf32, #tpu.memory_space<vmem_shared>>) target_semaphore(%run_scoped3A : memref<!tpu.dma_semaphore, #tpu.memory_space<semaphore_mem>>)
      %dma_wait3A = arith.constant 0 : i32
      %dma_wait3A_34 = tpu.memref_slice %arg9[%add3A_17, %dma_wait3A] : memref<10240x128xf32, #tpu.memory_space<vmem_shared>> -> memref<80x128xf32, #tpu.memory_space<vmem_shared>>
      %dma_wait3A_35 = arith.constant 0 : i32
      %dma_wait3A_36 = tpu.memref_slice %arg9[%add3A_17, %dma_wait3A_35] : memref<10240x128xf32, #tpu.memory_space<vmem_shared>> -> memref<80x128xf32, #tpu.memory_space<vmem_shared>>
      tpu.wait_dma2 semaphore(%run_scoped3A : memref<!tpu.dma_semaphore, #tpu.memory_space<semaphore_mem>>) src(%arg8 : memref<80x128xf32, #tpu.memory_space<vmem>>) dst(%dma_wait3A_36 : memref<80x128xf32, #tpu.memory_space<vmem_shared>>)
      tpu.yield
    }) : () -> ()
    %add3A_18 = arith.constant 400 : i32
    %add3A_19 = arith.addi %mul3A_7, %add3A_18 : i32
    "tpu.region"() ({
      %run_scoped3A = tpu.sem_alloc : memref<!tpu.dma_semaphore, #tpu.memory_space<semaphore_mem>>
      %dma_start3A = arith.constant 0 : i32
      %dma_start3A_31 = tpu.memref_slice %arg9[%add3A_19, %dma_start3A] : memref<10240x128xf32, #tpu.memory_space<vmem_shared>> -> memref<80x128xf32, #tpu.memory_space<vmem_shared>>
      %dma_start3A_32 = arith.constant 0 : i32
      %dma_start3A_33 = tpu.memref_slice %arg9[%add3A_19, %dma_start3A_32] : memref<10240x128xf32, #tpu.memory_space<vmem_shared>> -> memref<80x128xf32, #tpu.memory_space<vmem_shared>>
      tpu.enqueue_dma source(%arg8 : memref<80x128xf32, #tpu.memory_space<vmem>>) target(%dma_start3A_33 : memref<80x128xf32, #tpu.memory_space<vmem_shared>>) target_semaphore(%run_scoped3A : memref<!tpu.dma_semaphore, #tpu.memory_space<semaphore_mem>>)
      %dma_wait3A = arith.constant 0 : i32
      %dma_wait3A_34 = tpu.memref_slice %arg9[%add3A_19, %dma_wait3A] : memref<10240x128xf32, #tpu.memory_space<vmem_shared>> -> memref<80x128xf32, #tpu.memory_space<vmem_shared>>
      %dma_wait3A_35 = arith.constant 0 : i32
      %dma_wait3A_36 = tpu.memref_slice %arg9[%add3A_19, %dma_wait3A_35] : memref<10240x128xf32, #tpu.memory_space<vmem_shared>> -> memref<80x128xf32, #tpu.memory_space<vmem_shared>>
      tpu.wait_dma2 semaphore(%run_scoped3A : memref<!tpu.dma_semaphore, #tpu.memory_space<semaphore_mem>>) src(%arg8 : memref<80x128xf32, #tpu.memory_space<vmem>>) dst(%dma_wait3A_36 : memref<80x128xf32, #tpu.memory_space<vmem_shared>>)
      tpu.yield
    }) : () -> ()
    %add3A_20 = arith.constant 480 : i32
    %add3A_21 = arith.addi %mul3A_7, %add3A_20 : i32
    "tpu.region"() ({
      %run_scoped3A = tpu.sem_alloc : memref<!tpu.dma_semaphore, #tpu.memory_space<semaphore_mem>>
      %dma_start3A = arith.constant 0 : i32
      %dma_start3A_31 = tpu.memref_slice %arg9[%add3A_21, %dma_start3A] : memref<10240x128xf32, #tpu.memory_space<vmem_shared>> -> memref<80x128xf32, #tpu.memory_space<vmem_shared>>
      %dma_start3A_32 = arith.constant 0 : i32
      %dma_start3A_33 = tpu.memref_slice %arg9[%add3A_21, %dma_start3A_32] : memref<10240x128xf32, #tpu.memory_space<vmem_shared>> -> memref<80x128xf32, #tpu.memory_space<vmem_shared>>
      tpu.enqueue_dma source(%arg8 : memref<80x128xf32, #tpu.memory_space<vmem>>) target(%dma_start3A_33 : memref<80x128xf32, #tpu.memory_space<vmem_shared>>) target_semaphore(%run_scoped3A : memref<!tpu.dma_semaphore, #tpu.memory_space<semaphore_mem>>)
      %dma_wait3A = arith.constant 0 : i32
      %dma_wait3A_34 = tpu.memref_slice %arg9[%add3A_21, %dma_wait3A] : memref<10240x128xf32, #tpu.memory_space<vmem_shared>> -> memref<80x128xf32, #tpu.memory_space<vmem_shared>>
      %dma_wait3A_35 = arith.constant 0 : i32
      %dma_wait3A_36 = tpu.memref_slice %arg9[%add3A_21, %dma_wait3A_35] : memref<10240x128xf32, #tpu.memory_space<vmem_shared>> -> memref<80x128xf32, #tpu.memory_space<vmem_shared>>
      tpu.wait_dma2 semaphore(%run_scoped3A : memref<!tpu.dma_semaphore, #tpu.memory_space<semaphore_mem>>) src(%arg8 : memref<80x128xf32, #tpu.memory_space<vmem>>) dst(%dma_wait3A_36 : memref<80x128xf32, #tpu.memory_space<vmem_shared>>)
      tpu.yield
    }) : () -> ()
    %add3A_22 = arith.constant 560 : i32
    %add3A_23 = arith.addi %mul3A_7, %add3A_22 : i32
    "tpu.region"() ({
      %run_scoped3A = tpu.sem_alloc : memref<!tpu.dma_semaphore, #tpu.memory_space<semaphore_mem>>
      %dma_start3A = arith.constant 0 : i32
      %dma_start3A_31 = tpu.memref_slice %arg9[%add3A_23, %dma_start3A] : memref<10240x128xf32, #tpu.memory_space<vmem_shared>> -> memref<80x128xf32, #tpu.memory_space<vmem_shared>>
      %dma_start3A_32 = arith.constant 0 : i32
      %dma_start3A_33 = tpu.memref_slice %arg9[%add3A_23, %dma_start3A_32] : memref<10240x128xf32, #tpu.memory_space<vmem_shared>> -> memref<80x128xf32, #tpu.memory_space<vmem_shared>>
      tpu.enqueue_dma source(%arg8 : memref<80x128xf32, #tpu.memory_space<vmem>>) target(%dma_start3A_33 : memref<80x128xf32, #tpu.memory_space<vmem_shared>>) target_semaphore(%run_scoped3A : memref<!tpu.dma_semaphore, #tpu.memory_space<semaphore_mem>>)
      %dma_wait3A = arith.constant 0 : i32
      %dma_wait3A_34 = tpu.memref_slice %arg9[%add3A_23, %dma_wait3A] : memref<10240x128xf32, #tpu.memory_space<vmem_shared>> -> memref<80x128xf32, #tpu.memory_space<vmem_shared>>
      %dma_wait3A_35 = arith.constant 0 : i32
      %dma_wait3A_36 = tpu.memref_slice %arg9[%add3A_23, %dma_wait3A_35] : memref<10240x128xf32, #tpu.memory_space<vmem_shared>> -> memref<80x128xf32, #tpu.memory_space<vmem_shared>>
      tpu.wait_dma2 semaphore(%run_scoped3A : memref<!tpu.dma_semaphore, #tpu.memory_space<semaphore_mem>>) src(%arg8 : memref<80x128xf32, #tpu.memory_space<vmem>>) dst(%dma_wait3A_36 : memref<80x128xf32, #tpu.memory_space<vmem_shared>>)
      tpu.yield
    }) : () -> ()
    "tpu.region"() ({
      %run_scoped3A = tpu.sem_alloc : memref<!tpu.dma_semaphore, #tpu.memory_space<semaphore_mem>>
      %dma_start3A = arith.constant 0 : i32
      %dma_start3A_31 = arith.constant 0 : i32
      %dma_start3A_32 = tpu.memref_slice %arg3[%add3A, %dma_start3A, %dma_start3A_31] : memref<32x125x80xi32, #tpu.memory_space<hbm>> -> memref<1x125x80xi32, #tpu.memory_space<hbm>>
      %dma_start3A_33 = tpu.memref_squeeze %dma_start3A_32 : memref<1x125x80xi32, #tpu.memory_space<hbm>> -> memref<125x80xi32, #tpu.memory_space<hbm>>
      %dma_start3A_34 = arith.constant 0 : i32
      %dma_start3A_35 = arith.constant 0 : i32
      %dma_start3A_36 = tpu.memref_slice %arg3[%add3A, %dma_start3A_34, %dma_start3A_35] : memref<32x125x80xi32, #tpu.memory_space<hbm>> -> memref<1x125x80xi32, #tpu.memory_space<hbm>>
      %dma_start3A_37 = tpu.memref_squeeze %dma_start3A_36 : memref<1x125x80xi32, #tpu.memory_space<hbm>> -> memref<125x80xi32, #tpu.memory_space<hbm>>
      tpu.enqueue_dma source(%dma_start3A_37 : memref<125x80xi32, #tpu.memory_space<hbm>>) target(%arg6 : memref<125x80xi32, #tpu.memory_space<vmem>>) target_semaphore(%run_scoped3A : memref<!tpu.dma_semaphore, #tpu.memory_space<semaphore_mem>>)
      %dma_wait3A = arith.constant 0 : i32
      %dma_wait3A_38 = arith.constant 0 : i32
      %dma_wait3A_39 = tpu.memref_slice %arg3[%add3A, %dma_wait3A, %dma_wait3A_38] : memref<32x125x80xi32, #tpu.memory_space<hbm>> -> memref<1x125x80xi32, #tpu.memory_space<hbm>>
      %dma_wait3A_40 = tpu.memref_squeeze %dma_wait3A_39 : memref<1x125x80xi32, #tpu.memory_space<hbm>> -> memref<125x80xi32, #tpu.memory_space<hbm>>
      %dma_wait3A_41 = arith.constant 0 : i32
      %dma_wait3A_42 = arith.constant 0 : i32
      %dma_wait3A_43 = tpu.memref_slice %arg3[%add3A, %dma_wait3A_41, %dma_wait3A_42] : memref<32x125x80xi32, #tpu.memory_space<hbm>> -> memref<1x125x80xi32, #tpu.memory_space<hbm>>
      %dma_wait3A_44 = tpu.memref_squeeze %dma_wait3A_43 : memref<1x125x80xi32, #tpu.memory_space<hbm>> -> memref<125x80xi32, #tpu.memory_space<hbm>>
      tpu.wait_dma2 semaphore(%run_scoped3A : memref<!tpu.dma_semaphore, #tpu.memory_space<semaphore_mem>>) src(%dma_wait3A_44 : memref<125x80xi32, #tpu.memory_space<hbm>>) dst(%arg6 : memref<125x80xi32, #tpu.memory_space<vmem>>)
      tpu.yield
    }) : () -> ()
    "tpu.region"() ({
      %run_scoped3A = tpu.sem_alloc : memref<!tpu.dma_semaphore, #tpu.memory_space<semaphore_mem>>
      %dma_start3A = arith.constant 0 : i32
      %dma_start3A_31 = arith.constant 0 : i32
      %dma_start3A_32 = tpu.memref_slice %arg4[%add3A, %dma_start3A, %dma_start3A_31] : memref<32x125x80xi32, #tpu.memory_space<hbm>> -> memref<1x125x80xi32, #tpu.memory_space<hbm>>
      %dma_start3A_33 = tpu.memref_squeeze %dma_start3A_32 : memref<1x125x80xi32, #tpu.memory_space<hbm>> -> memref<125x80xi32, #tpu.memory_space<hbm>>
      %dma_start3A_34 = arith.constant 0 : i32
      %dma_start3A_35 = arith.constant 0 : i32
      %dma_start3A_36 = tpu.memref_slice %arg4[%add3A, %dma_start3A_34, %dma_start3A_35] : memref<32x125x80xi32, #tpu.memory_space<hbm>> -> memref<1x125x80xi32, #tpu.memory_space<hbm>>
      %dma_start3A_37 = tpu.memref_squeeze %dma_start3A_36 : memref<1x125x80xi32, #tpu.memory_space<hbm>> -> memref<125x80xi32, #tpu.memory_space<hbm>>
      tpu.enqueue_dma source(%dma_start3A_37 : memref<125x80xi32, #tpu.memory_space<hbm>>) target(%arg7 : memref<125x80xi32, #tpu.memory_space<vmem>>) target_semaphore(%run_scoped3A : memref<!tpu.dma_semaphore, #tpu.memory_space<semaphore_mem>>)
      %dma_wait3A = arith.constant 0 : i32
      %dma_wait3A_38 = arith.constant 0 : i32
      %dma_wait3A_39 = tpu.memref_slice %arg4[%add3A, %dma_wait3A, %dma_wait3A_38] : memref<32x125x80xi32, #tpu.memory_space<hbm>> -> memref<1x125x80xi32, #tpu.memory_space<hbm>>
      %dma_wait3A_40 = tpu.memref_squeeze %dma_wait3A_39 : memref<1x125x80xi32, #tpu.memory_space<hbm>> -> memref<125x80xi32, #tpu.memory_space<hbm>>
      %dma_wait3A_41 = arith.constant 0 : i32
      %dma_wait3A_42 = arith.constant 0 : i32
      %dma_wait3A_43 = tpu.memref_slice %arg4[%add3A, %dma_wait3A_41, %dma_wait3A_42] : memref<32x125x80xi32, #tpu.memory_space<hbm>> -> memref<1x125x80xi32, #tpu.memory_space<hbm>>
      %dma_wait3A_44 = tpu.memref_squeeze %dma_wait3A_43 : memref<1x125x80xi32, #tpu.memory_space<hbm>> -> memref<125x80xi32, #tpu.memory_space<hbm>>
      tpu.wait_dma2 semaphore(%run_scoped3A : memref<!tpu.dma_semaphore, #tpu.memory_space<semaphore_mem>>) src(%dma_wait3A_44 : memref<125x80xi32, #tpu.memory_space<hbm>>) dst(%arg7 : memref<125x80xi32, #tpu.memory_space<vmem>>)
      tpu.yield
    }) : () -> ()
    %barrier3A = arith.constant 0 : index
    tpu.barrier barrier_id(%barrier3A)
    %scan3A_24 = arith.constant 0 : i32
    %scan3A_25 = arith.constant 0 : i32
    %scan3A_26 = arith.constant 125 : i32
    %scan3A_27 = arith.addi %scan3A_25, %scan3A_26 : i32
    %scan3A_28 = arith.constant 1 : i32
    scf.for %scan3A_31 = %scan3A_25 to %scan3A_27 step %scan3A_28  : i32 {
      "tpu.region"() ({
        %run_scoped3A = tpu.sem_alloc : memref<!tpu.dma_semaphore, #tpu.memory_space<semaphore_mem>>
        %dma_start3A = arith.constant 0 : i32
        %dma_start3A_32 = tpu.memref_slice %arg6[%scan3A_31, %dma_start3A] : memref<125x80xi32, #tpu.memory_space<vmem>> -> memref<1x80xi32, #tpu.memory_space<vmem>>
        %dma_start3A_33 = tpu.memref_squeeze %dma_start3A_32 : memref<1x80xi32, #tpu.memory_space<vmem>> -> memref<80xi32, #tpu.memory_space<vmem>>
        %dma_start3A_34 = arith.constant 0 : i32
        %dma_start3A_35 = arith.constant 0 : i32
        %dma_start3A_36 = tpu.memref_slice %arg2[%dma_start3A_34, %dma_start3A_35] : memref<10000x128xf32, #tpu.memory_space<hbm>> -> memref<10000x128xf32, #tpu.memory_space<hbm>>
        tpu.enqueue_indirect_dma source(%dma_start3A_36 : memref<10000x128xf32, #tpu.memory_space<hbm>>) target(%arg8 : memref<80x128xf32, #tpu.memory_space<vmem>>) offsets(%dma_start3A_33 : memref<80xi32, #tpu.memory_space<vmem>>) semaphore(%run_scoped3A : memref<!tpu.dma_semaphore, #tpu.memory_space<semaphore_mem>>)
        %dma_wait3A = arith.constant 0 : i32
        %dma_wait3A_37 = tpu.memref_slice %arg6[%scan3A_31, %dma_wait3A] : memref<125x80xi32, #tpu.memory_space<vmem>> -> memref<1x80xi32, #tpu.memory_space<vmem>>
        %dma_wait3A_38 = tpu.memref_squeeze %dma_wait3A_37 : memref<1x80xi32, #tpu.memory_space<vmem>> -> memref<80xi32, #tpu.memory_space<vmem>>
        %dma_wait3A_39 = arith.constant 0 : i32
        %dma_wait3A_40 = arith.constant 0 : i32
        %dma_wait3A_41 = tpu.memref_slice %arg2[%dma_wait3A_39, %dma_wait3A_40] : memref<10000x128xf32, #tpu.memory_space<hbm>> -> memref<10000x128xf32, #tpu.memory_space<hbm>>
        tpu.wait_indirect_dma semaphore(%run_scoped3A : memref<!tpu.dma_semaphore, #tpu.memory_space<semaphore_mem>>) src(%dma_wait3A_41 : memref<10000x128xf32, #tpu.memory_space<hbm>>) dst(%arg8 : memref<80x128xf32, #tpu.memory_space<vmem>>)
        tpu.yield
      }) : () -> ()
      "tpu.region"() ({
        %run_scoped3A = tpu.sem_alloc : memref<!tpu.dma_semaphore, #tpu.memory_space<semaphore_mem>>
        %dma_start3A = arith.constant 0 : i32
        %dma_start3A_32 = tpu.memref_slice %arg7[%scan3A_31, %dma_start3A] : memref<125x80xi32, #tpu.memory_space<vmem>> -> memref<1x80xi32, #tpu.memory_space<vmem>>
        %dma_start3A_33 = tpu.memref_squeeze %dma_start3A_32 : memref<1x80xi32, #tpu.memory_space<vmem>> -> memref<80xi32, #tpu.memory_space<vmem>>
        %dma_start3A_34 = arith.constant 0 : i32
        %dma_start3A_35 = arith.constant 0 : i32
        %dma_start3A_36 = tpu.memref_slice %arg9[%dma_start3A_34, %dma_start3A_35] : memref<10240x128xf32, #tpu.memory_space<vmem_shared>> -> memref<10240x128xf32, #tpu.memory_space<vmem_shared>>
        tpu.enqueue_indirect_dma source(%arg8 : memref<80x128xf32, #tpu.memory_space<vmem>>) target(%dma_start3A_36 : memref<10240x128xf32, #tpu.memory_space<vmem_shared>>) offsets(%dma_start3A_33 : memref<80xi32, #tpu.memory_space<vmem>>) semaphore(%run_scoped3A : memref<!tpu.dma_semaphore, #tpu.memory_space<semaphore_mem>>) {add = true}
        %dma_wait3A = arith.constant 0 : i32
        %dma_wait3A_37 = tpu.memref_slice %arg7[%scan3A_31, %dma_wait3A] : memref<125x80xi32, #tpu.memory_space<vmem>> -> memref<1x80xi32, #tpu.memory_space<vmem>>
        %dma_wait3A_38 = tpu.memref_squeeze %dma_wait3A_37 : memref<1x80xi32, #tpu.memory_space<vmem>> -> memref<80xi32, #tpu.memory_space<vmem>>
        %dma_wait3A_39 = arith.constant 0 : i32
        %dma_wait3A_40 = arith.constant 0 : i32
        %dma_wait3A_41 = tpu.memref_slice %arg9[%dma_wait3A_39, %dma_wait3A_40] : memref<10240x128xf32, #tpu.memory_space<vmem_shared>> -> memref<10240x128xf32, #tpu.memory_space<vmem_shared>>
        tpu.wait_indirect_dma semaphore(%run_scoped3A : memref<!tpu.dma_semaphore, #tpu.memory_space<semaphore_mem>>) src(%arg8 : memref<80x128xf32, #tpu.memory_space<vmem>>) dst(%dma_wait3A_41 : memref<10240x128xf32, #tpu.memory_space<vmem_shared>>)
        tpu.yield
      }) : () -> ()
    }
    %scan3A_29 = arith.constant 125 : i32
    %barrier3A_30 = arith.constant 0 : index
    tpu.barrier barrier_id(%barrier3A_30)
    "tpu.region"() ({
      %run_scoped3A = tpu.sem_alloc : memref<!tpu.dma_semaphore, #tpu.memory_space<semaphore_mem>>
      %dma_start3A = arith.constant 0 : i32
      %dma_start3A_31 = tpu.memref_slice %arg5[%arg0, %mul3A_7, %dma_start3A] : memref<2x10240x128xf32, #tpu.memory_space<hbm>> -> memref<1x640x128xf32, #tpu.memory_space<hbm>>
      %dma_start3A_32 = tpu.memref_squeeze %dma_start3A_31 : memref<1x640x128xf32, #tpu.memory_space<hbm>> -> memref<640x128xf32, #tpu.memory_space<hbm>>
      %dma_start3A_33 = arith.constant 0 : i32
      %dma_start3A_34 = tpu.memref_slice %arg9[%mul3A_7, %dma_start3A_33] : memref<10240x128xf32, #tpu.memory_space<vmem_shared>> -> memref<640x128xf32, #tpu.memory_space<vmem_shared>>
      tpu.enqueue_dma source(%dma_start3A_34 : memref<640x128xf32, #tpu.memory_space<vmem_shared>>) target(%dma_start3A_32 : memref<640x128xf32, #tpu.memory_space<hbm>>) target_semaphore(%run_scoped3A : memref<!tpu.dma_semaphore, #tpu.memory_space<semaphore_mem>>)
      %dma_wait3A = arith.constant 0 : i32
      %dma_wait3A_35 = tpu.memref_slice %arg5[%arg0, %mul3A_7, %dma_wait3A] : memref<2x10240x128xf32, #tpu.memory_space<hbm>> -> memref<1x640x128xf32, #tpu.memory_space<hbm>>
      %dma_wait3A_36 = tpu.memref_squeeze %dma_wait3A_35 : memref<1x640x128xf32, #tpu.memory_space<hbm>> -> memref<640x128xf32, #tpu.memory_space<hbm>>
      %dma_wait3A_37 = arith.constant 0 : i32
      %dma_wait3A_38 = tpu.memref_slice %arg9[%mul3A_7, %dma_wait3A_37] : memref<10240x128xf32, #tpu.memory_space<vmem_shared>> -> memref<640x128xf32, #tpu.memory_space<vmem_shared>>
      tpu.wait_dma2 semaphore(%run_scoped3A : memref<!tpu.dma_semaphore, #tpu.memory_space<semaphore_mem>>) src(%dma_wait3A_38 : memref<640x128xf32, #tpu.memory_space<vmem_shared>>) dst(%dma_wait3A_36 : memref<640x128xf32, #tpu.memory_space<hbm>>)
      tpu.yield
    }) : () -> ()
    return
  }
}

#map = affine_map<(d0, d1) -> (0, 0, 0)>
module attributes {stable_mosaic.version = 14 : i64} {
  func.func @_deg_kernel(%arg0: i32, %arg1: i32, %arg2: memref<32x125x80xi32, #tpu.memory_space<hbm>>, %arg3: memref<2x10240x16xf32, #tpu.memory_space<hbm>>, %arg4: memref<125x80xi32, #tpu.memory_space<vmem>>, %arg5: memref<80x16xf32, #tpu.memory_space<vmem>>, %arg6: memref<10240x16xf32, #tpu.memory_space<vmem_shared>>) attributes {dimension_semantics = [#tpu.dimension_semantics<core_parallel>, #tpu.dimension_semantics<subcore_parallel>], iteration_bounds = array<i64: 2, 16>, scalar_prefetch = 0 : i64, scratch_operands = 3 : i64, tpu.core_type = #tpu.core_type<sc_vector_subcore>, window_params = [{transform_indices = #map}, {transform_indices = #map}]} {
    %mul3A = arith.constant 2 : i32
    %mul3A_0 = arith.muli %arg1, %mul3A : i32
    %add3A = arith.addi %mul3A_0, %arg0 : i32
    %scan3A = arith.constant 0 : i32
    %scan3A_1 = arith.constant 0 : i32
    %scan3A_2 = arith.constant 80 : i32
    %scan3A_3 = arith.addi %scan3A_1, %scan3A_2 : i32
    %scan3A_4 = arith.constant 1 : i32
    scf.for %scan3A_37 = %scan3A_1 to %scan3A_3 step %scan3A_4  : i32 {
      %broadcast_in_dim3A = arith.constant 0.000000e+00 : f32
      %broadcast_in_dim3A_38 = vector.broadcast %broadcast_in_dim3A : f32 to vector<16xf32>
      %swap3A = arith.index_cast %scan3A_37 : i32 to index
      %swap3A_39 = arith.constant 0 : index
      %swap3A_40 = tpu.vector_load %arg5[%swap3A, %swap3A_39] {strides = array<i32>} : memref<80x16xf32, #tpu.memory_space<vmem>>, vector<1x16xf32>,
      %swap3A_41 = vector.shape_cast %swap3A_40 : vector<1x16xf32> to vector<16xf32>
      %swap3A_42 = vector.shape_cast %broadcast_in_dim3A_38 : vector<16xf32> to vector<1x16xf32>
      tpu.vector_store %arg5[%swap3A, %swap3A_39], %swap3A_42 {strides = array<i32>} : memref<80x16xf32, #tpu.memory_space<vmem>>, vector<1x16xf32>,
    }
    %scan3A_5 = arith.constant 80 : i32
    %mul3A_6 = arith.constant 640 : i32
    %mul3A_7 = arith.muli %arg1, %mul3A_6 : i32
    %add3A_8 = arith.constant 0 : i32
    %add3A_9 = arith.addi %mul3A_7, %add3A_8 : i32
    "tpu.region"() ({
      %run_scoped3A = tpu.sem_alloc : memref<!tpu.dma_semaphore, #tpu.memory_space<semaphore_mem>>
      %dma_start3A = arith.constant 0 : i32
      %dma_start3A_37 = tpu.memref_slice %arg6[%add3A_9, %dma_start3A] : memref<10240x16xf32, #tpu.memory_space<vmem_shared>> -> memref<80x16xf32, #tpu.memory_space<vmem_shared>>
      %dma_start3A_38 = arith.constant 0 : i32
      %dma_start3A_39 = tpu.memref_slice %arg6[%add3A_9, %dma_start3A_38] : memref<10240x16xf32, #tpu.memory_space<vmem_shared>> -> memref<80x16xf32, #tpu.memory_space<vmem_shared>>
      tpu.enqueue_dma source(%arg5 : memref<80x16xf32, #tpu.memory_space<vmem>>) target(%dma_start3A_39 : memref<80x16xf32, #tpu.memory_space<vmem_shared>>) target_semaphore(%run_scoped3A : memref<!tpu.dma_semaphore, #tpu.memory_space<semaphore_mem>>)
      %dma_wait3A = arith.constant 0 : i32
      %dma_wait3A_40 = tpu.memref_slice %arg6[%add3A_9, %dma_wait3A] : memref<10240x16xf32, #tpu.memory_space<vmem_shared>> -> memref<80x16xf32, #tpu.memory_space<vmem_shared>>
      %dma_wait3A_41 = arith.constant 0 : i32
      %dma_wait3A_42 = tpu.memref_slice %arg6[%add3A_9, %dma_wait3A_41] : memref<10240x16xf32, #tpu.memory_space<vmem_shared>> -> memref<80x16xf32, #tpu.memory_space<vmem_shared>>
      tpu.wait_dma2 semaphore(%run_scoped3A : memref<!tpu.dma_semaphore, #tpu.memory_space<semaphore_mem>>) src(%arg5 : memref<80x16xf32, #tpu.memory_space<vmem>>) dst(%dma_wait3A_42 : memref<80x16xf32, #tpu.memory_space<vmem_shared>>)
      tpu.yield
    }) : () -> ()
    %add3A_10 = arith.constant 80 : i32
    %add3A_11 = arith.addi %mul3A_7, %add3A_10 : i32
    "tpu.region"() ({
      %run_scoped3A = tpu.sem_alloc : memref<!tpu.dma_semaphore, #tpu.memory_space<semaphore_mem>>
      %dma_start3A = arith.constant 0 : i32
      %dma_start3A_37 = tpu.memref_slice %arg6[%add3A_11, %dma_start3A] : memref<10240x16xf32, #tpu.memory_space<vmem_shared>> -> memref<80x16xf32, #tpu.memory_space<vmem_shared>>
      %dma_start3A_38 = arith.constant 0 : i32
      %dma_start3A_39 = tpu.memref_slice %arg6[%add3A_11, %dma_start3A_38] : memref<10240x16xf32, #tpu.memory_space<vmem_shared>> -> memref<80x16xf32, #tpu.memory_space<vmem_shared>>
      tpu.enqueue_dma source(%arg5 : memref<80x16xf32, #tpu.memory_space<vmem>>) target(%dma_start3A_39 : memref<80x16xf32, #tpu.memory_space<vmem_shared>>) target_semaphore(%run_scoped3A : memref<!tpu.dma_semaphore, #tpu.memory_space<semaphore_mem>>)
      %dma_wait3A = arith.constant 0 : i32
      %dma_wait3A_40 = tpu.memref_slice %arg6[%add3A_11, %dma_wait3A] : memref<10240x16xf32, #tpu.memory_space<vmem_shared>> -> memref<80x16xf32, #tpu.memory_space<vmem_shared>>
      %dma_wait3A_41 = arith.constant 0 : i32
      %dma_wait3A_42 = tpu.memref_slice %arg6[%add3A_11, %dma_wait3A_41] : memref<10240x16xf32, #tpu.memory_space<vmem_shared>> -> memref<80x16xf32, #tpu.memory_space<vmem_shared>>
      tpu.wait_dma2 semaphore(%run_scoped3A : memref<!tpu.dma_semaphore, #tpu.memory_space<semaphore_mem>>) src(%arg5 : memref<80x16xf32, #tpu.memory_space<vmem>>) dst(%dma_wait3A_42 : memref<80x16xf32, #tpu.memory_space<vmem_shared>>)
      tpu.yield
    }) : () -> ()
    %add3A_12 = arith.constant 160 : i32
    %add3A_13 = arith.addi %mul3A_7, %add3A_12 : i32
    "tpu.region"() ({
      %run_scoped3A = tpu.sem_alloc : memref<!tpu.dma_semaphore, #tpu.memory_space<semaphore_mem>>
      %dma_start3A = arith.constant 0 : i32
      %dma_start3A_37 = tpu.memref_slice %arg6[%add3A_13, %dma_start3A] : memref<10240x16xf32, #tpu.memory_space<vmem_shared>> -> memref<80x16xf32, #tpu.memory_space<vmem_shared>>
      %dma_start3A_38 = arith.constant 0 : i32
      %dma_start3A_39 = tpu.memref_slice %arg6[%add3A_13, %dma_start3A_38] : memref<10240x16xf32, #tpu.memory_space<vmem_shared>> -> memref<80x16xf32, #tpu.memory_space<vmem_shared>>
      tpu.enqueue_dma source(%arg5 : memref<80x16xf32, #tpu.memory_space<vmem>>) target(%dma_start3A_39 : memref<80x16xf32, #tpu.memory_space<vmem_shared>>) target_semaphore(%run_scoped3A : memref<!tpu.dma_semaphore, #tpu.memory_space<semaphore_mem>>)
      %dma_wait3A = arith.constant 0 : i32
      %dma_wait3A_40 = tpu.memref_slice %arg6[%add3A_13, %dma_wait3A] : memref<10240x16xf32, #tpu.memory_space<vmem_shared>> -> memref<80x16xf32, #tpu.memory_space<vmem_shared>>
      %dma_wait3A_41 = arith.constant 0 : i32
      %dma_wait3A_42 = tpu.memref_slice %arg6[%add3A_13, %dma_wait3A_41] : memref<10240x16xf32, #tpu.memory_space<vmem_shared>> -> memref<80x16xf32, #tpu.memory_space<vmem_shared>>
      tpu.wait_dma2 semaphore(%run_scoped3A : memref<!tpu.dma_semaphore, #tpu.memory_space<semaphore_mem>>) src(%arg5 : memref<80x16xf32, #tpu.memory_space<vmem>>) dst(%dma_wait3A_42 : memref<80x16xf32, #tpu.memory_space<vmem_shared>>)
      tpu.yield
    }) : () -> ()
    %add3A_14 = arith.constant 240 : i32
    %add3A_15 = arith.addi %mul3A_7, %add3A_14 : i32
    "tpu.region"() ({
      %run_scoped3A = tpu.sem_alloc : memref<!tpu.dma_semaphore, #tpu.memory_space<semaphore_mem>>
      %dma_start3A = arith.constant 0 : i32
      %dma_start3A_37 = tpu.memref_slice %arg6[%add3A_15, %dma_start3A] : memref<10240x16xf32, #tpu.memory_space<vmem_shared>> -> memref<80x16xf32, #tpu.memory_space<vmem_shared>>
      %dma_start3A_38 = arith.constant 0 : i32
      %dma_start3A_39 = tpu.memref_slice %arg6[%add3A_15, %dma_start3A_38] : memref<10240x16xf32, #tpu.memory_space<vmem_shared>> -> memref<80x16xf32, #tpu.memory_space<vmem_shared>>
      tpu.enqueue_dma source(%arg5 : memref<80x16xf32, #tpu.memory_space<vmem>>) target(%dma_start3A_39 : memref<80x16xf32, #tpu.memory_space<vmem_shared>>) target_semaphore(%run_scoped3A : memref<!tpu.dma_semaphore, #tpu.memory_space<semaphore_mem>>)
      %dma_wait3A = arith.constant 0 : i32
      %dma_wait3A_40 = tpu.memref_slice %arg6[%add3A_15, %dma_wait3A] : memref<10240x16xf32, #tpu.memory_space<vmem_shared>> -> memref<80x16xf32, #tpu.memory_space<vmem_shared>>
      %dma_wait3A_41 = arith.constant 0 : i32
      %dma_wait3A_42 = tpu.memref_slice %arg6[%add3A_15, %dma_wait3A_41] : memref<10240x16xf32, #tpu.memory_space<vmem_shared>> -> memref<80x16xf32, #tpu.memory_space<vmem_shared>>
      tpu.wait_dma2 semaphore(%run_scoped3A : memref<!tpu.dma_semaphore, #tpu.memory_space<semaphore_mem>>) src(%arg5 : memref<80x16xf32, #tpu.memory_space<vmem>>) dst(%dma_wait3A_42 : memref<80x16xf32, #tpu.memory_space<vmem_shared>>)
      tpu.yield
    }) : () -> ()
    %add3A_16 = arith.constant 320 : i32
    %add3A_17 = arith.addi %mul3A_7, %add3A_16 : i32
    "tpu.region"() ({
      %run_scoped3A = tpu.sem_alloc : memref<!tpu.dma_semaphore, #tpu.memory_space<semaphore_mem>>
      %dma_start3A = arith.constant 0 : i32
      %dma_start3A_37 = tpu.memref_slice %arg6[%add3A_17, %dma_start3A] : memref<10240x16xf32, #tpu.memory_space<vmem_shared>> -> memref<80x16xf32, #tpu.memory_space<vmem_shared>>
      %dma_start3A_38 = arith.constant 0 : i32
      %dma_start3A_39 = tpu.memref_slice %arg6[%add3A_17, %dma_start3A_38] : memref<10240x16xf32, #tpu.memory_space<vmem_shared>> -> memref<80x16xf32, #tpu.memory_space<vmem_shared>>
      tpu.enqueue_dma source(%arg5 : memref<80x16xf32, #tpu.memory_space<vmem>>) target(%dma_start3A_39 : memref<80x16xf32, #tpu.memory_space<vmem_shared>>) target_semaphore(%run_scoped3A : memref<!tpu.dma_semaphore, #tpu.memory_space<semaphore_mem>>)
      %dma_wait3A = arith.constant 0 : i32
      %dma_wait3A_40 = tpu.memref_slice %arg6[%add3A_17, %dma_wait3A] : memref<10240x16xf32, #tpu.memory_space<vmem_shared>> -> memref<80x16xf32, #tpu.memory_space<vmem_shared>>
      %dma_wait3A_41 = arith.constant 0 : i32
      %dma_wait3A_42 = tpu.memref_slice %arg6[%add3A_17, %dma_wait3A_41] : memref<10240x16xf32, #tpu.memory_space<vmem_shared>> -> memref<80x16xf32, #tpu.memory_space<vmem_shared>>
      tpu.wait_dma2 semaphore(%run_scoped3A : memref<!tpu.dma_semaphore, #tpu.memory_space<semaphore_mem>>) src(%arg5 : memref<80x16xf32, #tpu.memory_space<vmem>>) dst(%dma_wait3A_42 : memref<80x16xf32, #tpu.memory_space<vmem_shared>>)
      tpu.yield
    }) : () -> ()
    %add3A_18 = arith.constant 400 : i32
    %add3A_19 = arith.addi %mul3A_7, %add3A_18 : i32
    "tpu.region"() ({
      %run_scoped3A = tpu.sem_alloc : memref<!tpu.dma_semaphore, #tpu.memory_space<semaphore_mem>>
      %dma_start3A = arith.constant 0 : i32
      %dma_start3A_37 = tpu.memref_slice %arg6[%add3A_19, %dma_start3A] : memref<10240x16xf32, #tpu.memory_space<vmem_shared>> -> memref<80x16xf32, #tpu.memory_space<vmem_shared>>
      %dma_start3A_38 = arith.constant 0 : i32
      %dma_start3A_39 = tpu.memref_slice %arg6[%add3A_19, %dma_start3A_38] : memref<10240x16xf32, #tpu.memory_space<vmem_shared>> -> memref<80x16xf32, #tpu.memory_space<vmem_shared>>
      tpu.enqueue_dma source(%arg5 : memref<80x16xf32, #tpu.memory_space<vmem>>) target(%dma_start3A_39 : memref<80x16xf32, #tpu.memory_space<vmem_shared>>) target_semaphore(%run_scoped3A : memref<!tpu.dma_semaphore, #tpu.memory_space<semaphore_mem>>)
      %dma_wait3A = arith.constant 0 : i32
      %dma_wait3A_40 = tpu.memref_slice %arg6[%add3A_19, %dma_wait3A] : memref<10240x16xf32, #tpu.memory_space<vmem_shared>> -> memref<80x16xf32, #tpu.memory_space<vmem_shared>>
      %dma_wait3A_41 = arith.constant 0 : i32
      %dma_wait3A_42 = tpu.memref_slice %arg6[%add3A_19, %dma_wait3A_41] : memref<10240x16xf32, #tpu.memory_space<vmem_shared>> -> memref<80x16xf32, #tpu.memory_space<vmem_shared>>
      tpu.wait_dma2 semaphore(%run_scoped3A : memref<!tpu.dma_semaphore, #tpu.memory_space<semaphore_mem>>) src(%arg5 : memref<80x16xf32, #tpu.memory_space<vmem>>) dst(%dma_wait3A_42 : memref<80x16xf32, #tpu.memory_space<vmem_shared>>)
      tpu.yield
    }) : () -> ()
    %add3A_20 = arith.constant 480 : i32
    %add3A_21 = arith.addi %mul3A_7, %add3A_20 : i32
    "tpu.region"() ({
      %run_scoped3A = tpu.sem_alloc : memref<!tpu.dma_semaphore, #tpu.memory_space<semaphore_mem>>
      %dma_start3A = arith.constant 0 : i32
      %dma_start3A_37 = tpu.memref_slice %arg6[%add3A_21, %dma_start3A] : memref<10240x16xf32, #tpu.memory_space<vmem_shared>> -> memref<80x16xf32, #tpu.memory_space<vmem_shared>>
      %dma_start3A_38 = arith.constant 0 : i32
      %dma_start3A_39 = tpu.memref_slice %arg6[%add3A_21, %dma_start3A_38] : memref<10240x16xf32, #tpu.memory_space<vmem_shared>> -> memref<80x16xf32, #tpu.memory_space<vmem_shared>>
      tpu.enqueue_dma source(%arg5 : memref<80x16xf32, #tpu.memory_space<vmem>>) target(%dma_start3A_39 : memref<80x16xf32, #tpu.memory_space<vmem_shared>>) target_semaphore(%run_scoped3A : memref<!tpu.dma_semaphore, #tpu.memory_space<semaphore_mem>>)
      %dma_wait3A = arith.constant 0 : i32
      %dma_wait3A_40 = tpu.memref_slice %arg6[%add3A_21, %dma_wait3A] : memref<10240x16xf32, #tpu.memory_space<vmem_shared>> -> memref<80x16xf32, #tpu.memory_space<vmem_shared>>
      %dma_wait3A_41 = arith.constant 0 : i32
      %dma_wait3A_42 = tpu.memref_slice %arg6[%add3A_21, %dma_wait3A_41] : memref<10240x16xf32, #tpu.memory_space<vmem_shared>> -> memref<80x16xf32, #tpu.memory_space<vmem_shared>>
      tpu.wait_dma2 semaphore(%run_scoped3A : memref<!tpu.dma_semaphore, #tpu.memory_space<semaphore_mem>>) src(%arg5 : memref<80x16xf32, #tpu.memory_space<vmem>>) dst(%dma_wait3A_42 : memref<80x16xf32, #tpu.memory_space<vmem_shared>>)
      tpu.yield
    }) : () -> ()
    %add3A_22 = arith.constant 560 : i32
    %add3A_23 = arith.addi %mul3A_7, %add3A_22 : i32
    "tpu.region"() ({
      %run_scoped3A = tpu.sem_alloc : memref<!tpu.dma_semaphore, #tpu.memory_space<semaphore_mem>>
      %dma_start3A = arith.constant 0 : i32
      %dma_start3A_37 = tpu.memref_slice %arg6[%add3A_23, %dma_start3A] : memref<10240x16xf32, #tpu.memory_space<vmem_shared>> -> memref<80x16xf32, #tpu.memory_space<vmem_shared>>
      %dma_start3A_38 = arith.constant 0 : i32
      %dma_start3A_39 = tpu.memref_slice %arg6[%add3A_23, %dma_start3A_38] : memref<10240x16xf32, #tpu.memory_space<vmem_shared>> -> memref<80x16xf32, #tpu.memory_space<vmem_shared>>
      tpu.enqueue_dma source(%arg5 : memref<80x16xf32, #tpu.memory_space<vmem>>) target(%dma_start3A_39 : memref<80x16xf32, #tpu.memory_space<vmem_shared>>) target_semaphore(%run_scoped3A : memref<!tpu.dma_semaphore, #tpu.memory_space<semaphore_mem>>)
      %dma_wait3A = arith.constant 0 : i32
      %dma_wait3A_40 = tpu.memref_slice %arg6[%add3A_23, %dma_wait3A] : memref<10240x16xf32, #tpu.memory_space<vmem_shared>> -> memref<80x16xf32, #tpu.memory_space<vmem_shared>>
      %dma_wait3A_41 = arith.constant 0 : i32
      %dma_wait3A_42 = tpu.memref_slice %arg6[%add3A_23, %dma_wait3A_41] : memref<10240x16xf32, #tpu.memory_space<vmem_shared>> -> memref<80x16xf32, #tpu.memory_space<vmem_shared>>
      tpu.wait_dma2 semaphore(%run_scoped3A : memref<!tpu.dma_semaphore, #tpu.memory_space<semaphore_mem>>) src(%arg5 : memref<80x16xf32, #tpu.memory_space<vmem>>) dst(%dma_wait3A_42 : memref<80x16xf32, #tpu.memory_space<vmem_shared>>)
      tpu.yield
    }) : () -> ()
    %scan3A_24 = arith.constant 0 : i32
    %scan3A_25 = arith.constant 0 : i32
    %scan3A_26 = arith.constant 80 : i32
    %scan3A_27 = arith.addi %scan3A_25, %scan3A_26 : i32
    %scan3A_28 = arith.constant 1 : i32
    scf.for %scan3A_37 = %scan3A_25 to %scan3A_27 step %scan3A_28  : i32 {
      %broadcast_in_dim3A = arith.constant 1.000000e+00 : f32
      %broadcast_in_dim3A_38 = vector.broadcast %broadcast_in_dim3A : f32 to vector<16xf32>
      %swap3A = arith.index_cast %scan3A_37 : i32 to index
      %swap3A_39 = arith.constant 0 : index
      %swap3A_40 = tpu.vector_load %arg5[%swap3A, %swap3A_39] {strides = array<i32>} : memref<80x16xf32, #tpu.memory_space<vmem>>, vector<1x16xf32>,
      %swap3A_41 = vector.shape_cast %swap3A_40 : vector<1x16xf32> to vector<16xf32>
      %swap3A_42 = vector.shape_cast %broadcast_in_dim3A_38 : vector<16xf32> to vector<1x16xf32>
      tpu.vector_store %arg5[%swap3A, %swap3A_39], %swap3A_42 {strides = array<i32>} : memref<80x16xf32, #tpu.memory_space<vmem>>, vector<1x16xf32>,
    }
    %scan3A_29 = arith.constant 80 : i32
    "tpu.region"() ({
      %run_scoped3A = tpu.sem_alloc : memref<!tpu.dma_semaphore, #tpu.memory_space<semaphore_mem>>
      %dma_start3A = arith.constant 0 : i32
      %dma_start3A_37 = arith.constant 0 : i32
      %dma_start3A_38 = tpu.memref_slice %arg2[%add3A, %dma_start3A, %dma_start3A_37] : memref<32x125x80xi32, #tpu.memory_space<hbm>> -> memref<1x125x80xi32, #tpu.memory_space<hbm>>
      %dma_start3A_39 = tpu.memref_squeeze %dma_start3A_38 : memref<1x125x80xi32, #tpu.memory_space<hbm>> -> memref<125x80xi32, #tpu.memory_space<hbm>>
      %dma_start3A_40 = arith.constant 0 : i32
      %dma_start3A_41 = arith.constant 0 : i32
      %dma_start3A_42 = tpu.memref_slice %arg2[%add3A, %dma_start3A_40, %dma_start3A_41] : memref<32x125x80xi32, #tpu.memory_space<hbm>> -> memref<1x125x80xi32, #tpu.memory_space<hbm>>
      %dma_start3A_43 = tpu.memref_squeeze %dma_start3A_42 : memref<1x125x80xi32, #tpu.memory_space<hbm>> -> memref<125x80xi32, #tpu.memory_space<hbm>>
      tpu.enqueue_dma source(%dma_start3A_43 : memref<125x80xi32, #tpu.memory_space<hbm>>) target(%arg4 : memref<125x80xi32, #tpu.memory_space<vmem>>) target_semaphore(%run_scoped3A : memref<!tpu.dma_semaphore, #tpu.memory_space<semaphore_mem>>)
      %dma_wait3A = arith.constant 0 : i32
      %dma_wait3A_44 = arith.constant 0 : i32
      %dma_wait3A_45 = tpu.memref_slice %arg2[%add3A, %dma_wait3A, %dma_wait3A_44] : memref<32x125x80xi32, #tpu.memory_space<hbm>> -> memref<1x125x80xi32, #tpu.memory_space<hbm>>
      %dma_wait3A_46 = tpu.memref_squeeze %dma_wait3A_45 : memref<1x125x80xi32, #tpu.memory_space<hbm>> -> memref<125x80xi32, #tpu.memory_space<hbm>>
      %dma_wait3A_47 = arith.constant 0 : i32
      %dma_wait3A_48 = arith.constant 0 : i32
      %dma_wait3A_49 = tpu.memref_slice %arg2[%add3A, %dma_wait3A_47, %dma_wait3A_48] : memref<32x125x80xi32, #tpu.memory_space<hbm>> -> memref<1x125x80xi32, #tpu.memory_space<hbm>>
      %dma_wait3A_50 = tpu.memref_squeeze %dma_wait3A_49 : memref<1x125x80xi32, #tpu.memory_space<hbm>> -> memref<125x80xi32, #tpu.memory_space<hbm>>
      tpu.wait_dma2 semaphore(%run_scoped3A : memref<!tpu.dma_semaphore, #tpu.memory_space<semaphore_mem>>) src(%dma_wait3A_50 : memref<125x80xi32, #tpu.memory_space<hbm>>) dst(%arg4 : memref<125x80xi32, #tpu.memory_space<vmem>>)
      tpu.yield
    }) : () -> ()
    %barrier3A = arith.constant 0 : index
    tpu.barrier barrier_id(%barrier3A)
    %scan3A_30 = arith.constant 0 : i32
    %scan3A_31 = arith.constant 0 : i32
    %scan3A_32 = arith.constant 125 : i32
    %scan3A_33 = arith.addi %scan3A_31, %scan3A_32 : i32
    %scan3A_34 = arith.constant 1 : i32
    scf.for %scan3A_37 = %scan3A_31 to %scan3A_33 step %scan3A_34  : i32 {
      "tpu.region"() ({
        %run_scoped3A = tpu.sem_alloc : memref<!tpu.dma_semaphore, #tpu.memory_space<semaphore_mem>>
        %dma_start3A = arith.constant 0 : i32
        %dma_start3A_38 = tpu.memref_slice %arg4[%scan3A_37, %dma_start3A] : memref<125x80xi32, #tpu.memory_space<vmem>> -> memref<1x80xi32, #tpu.memory_space<vmem>>
        %dma_start3A_39 = tpu.memref_squeeze %dma_start3A_38 : memref<1x80xi32, #tpu.memory_space<vmem>> -> memref<80xi32, #tpu.memory_space<vmem>>
        %dma_start3A_40 = arith.constant 0 : i32
        %dma_start3A_41 = arith.constant 0 : i32
        %dma_start3A_42 = tpu.memref_slice %arg6[%dma_start3A_40, %dma_start3A_41] : memref<10240x16xf32, #tpu.memory_space<vmem_shared>> -> memref<10240x16xf32, #tpu.memory_space<vmem_shared>>
        tpu.enqueue_indirect_dma source(%arg5 : memref<80x16xf32, #tpu.memory_space<vmem>>) target(%dma_start3A_42 : memref<10240x16xf32, #tpu.memory_space<vmem_shared>>) offsets(%dma_start3A_39 : memref<80xi32, #tpu.memory_space<vmem>>) semaphore(%run_scoped3A : memref<!tpu.dma_semaphore, #tpu.memory_space<semaphore_mem>>) {add = true}
        %dma_wait3A = arith.constant 0 : i32
        %dma_wait3A_43 = tpu.memref_slice %arg4[%scan3A_37, %dma_wait3A] : memref<125x80xi32, #tpu.memory_space<vmem>> -> memref<1x80xi32, #tpu.memory_space<vmem>>
        %dma_wait3A_44 = tpu.memref_squeeze %dma_wait3A_43 : memref<1x80xi32, #tpu.memory_space<vmem>> -> memref<80xi32, #tpu.memory_space<vmem>>
        %dma_wait3A_45 = arith.constant 0 : i32
        %dma_wait3A_46 = arith.constant 0 : i32
        %dma_wait3A_47 = tpu.memref_slice %arg6[%dma_wait3A_45, %dma_wait3A_46] : memref<10240x16xf32, #tpu.memory_space<vmem_shared>> -> memref<10240x16xf32, #tpu.memory_space<vmem_shared>>
        tpu.wait_indirect_dma semaphore(%run_scoped3A : memref<!tpu.dma_semaphore, #tpu.memory_space<semaphore_mem>>) src(%arg5 : memref<80x16xf32, #tpu.memory_space<vmem>>) dst(%dma_wait3A_47 : memref<10240x16xf32, #tpu.memory_space<vmem_shared>>)
        tpu.yield
      }) : () -> ()
    }
    %scan3A_35 = arith.constant 125 : i32
    %barrier3A_36 = arith.constant 0 : index
    tpu.barrier barrier_id(%barrier3A_36)
    "tpu.region"() ({
      %run_scoped3A = tpu.sem_alloc : memref<!tpu.dma_semaphore, #tpu.memory_space<semaphore_mem>>
      %dma_start3A = arith.constant 0 : i32
      %dma_start3A_37 = tpu.memref_slice %arg3[%arg0, %mul3A_7, %dma_start3A] : memref<2x10240x16xf32, #tpu.memory_space<hbm>> -> memref<1x640x16xf32, #tpu.memory_space<hbm>>
      %dma_start3A_38 = tpu.memref_squeeze %dma_start3A_37 : memref<1x640x16xf32, #tpu.memory_space<hbm>> -> memref<640x16xf32, #tpu.memory_space<hbm>>
      %dma_start3A_39 = arith.constant 0 : i32
      %dma_start3A_40 = tpu.memref_slice %arg6[%mul3A_7, %dma_start3A_39] : memref<10240x16xf32, #tpu.memory_space<vmem_shared>> -> memref<640x16xf32, #tpu.memory_space<vmem_shared>>
      tpu.enqueue_dma source(%dma_start3A_40 : memref<640x16xf32, #tpu.memory_space<vmem_shared>>) target(%dma_start3A_38 : memref<640x16xf32, #tpu.memory_space<hbm>>) target_semaphore(%run_scoped3A : memref<!tpu.dma_semaphore, #tpu.memory_space<semaphore_mem>>)
      %dma_wait3A = arith.constant 0 : i32
      %dma_wait3A_41 = tpu.memref_slice %arg3[%arg0, %mul3A_7, %dma_wait3A] : memref<2x10240x16xf32, #tpu.memory_space<hbm>> -> memref<1x640x16xf32, #tpu.memory_space<hbm>>
      %dma_wait3A_42 = tpu.memref_squeeze %dma_wait3A_41 : memref<1x640x16xf32, #tpu.memory_space<hbm>> -> memref<640x16xf32, #tpu.memory_space<hbm>>
      %dma_wait3A_43 = arith.constant 0 : i32
      %dma_wait3A_44 = tpu.memref_slice %arg6[%mul3A_7, %dma_wait3A_43] : memref<10240x16xf32, #tpu.memory_space<vmem_shared>> -> memref<640x16xf32, #tpu.memory_space<vmem_shared>>
      tpu.wait_dma2 semaphore(%run_scoped3A : memref<!tpu.dma_semaphore, #tpu.memory_space<semaphore_mem>>) src(%dma_wait3A_44 : memref<640x16xf32, #tpu.memory_space<vmem_shared>>) dst(%dma_wait3A_42 : memref<640x16xf32, #tpu.memory_space<hbm>>)
      tpu.yield
    }) : () -> ()
    return
  }
}

module attributes {stable_mosaic.version = 14 : i64} {
  func.func @_tc0_body(%arg0: i32, %arg1: memref<1000x128xf32, #tpu.memory_space<vmem>>, %arg2: memref<128x128xf32, #tpu.memory_space<vmem>>, %arg3: memref<1000x128xf32, #tpu.memory_space<vmem>>) attributes {dimension_semantics = [#tpu.dimension_semantics<arbitrary>], iteration_bounds = array<i64: 10>, scalar_prefetch = 0 : i64, scratch_operands = 0 : i64, tpu.core_type = #tpu.core_type<tc>, window_params = [{transform_indices = @transform_0, window_bounds = array<i64: 1000, 128>}, {pipeline_mode = #tpu.pipeline_mode<synchronous>, transform_indices = @transform_1, window_bounds = array<i64: 128, 128>}, {transform_indices = @transform_2, window_bounds = array<i64: 1000, 128>}]} {
    %get3A = arith.constant 0 : index
    %get3A_0 = arith.constant 0 : index
    %get3A_1 = vector.load %arg1[%get3A, %get3A_0] : memref<1000x128xf32, #tpu.memory_space<vmem>>, vector<1000x128xf32>
    %get3A_2 = arith.constant 0 : index
    %get3A_3 = arith.constant 0 : index
    %get3A_4 = vector.load %arg2[%get3A_2, %get3A_3] : memref<128x128xf32, #tpu.memory_space<vmem>>, vector<128x128xf32>
    %dot_general3A = arith.constant dense<0.000000e+00> : vector<1000x128xf32>
    %dot_general3A_5 = tpu.matmul %get3A_1, %get3A_4, %dot_general3A {dimension_numbers = #tpu.dot_dimension_numbers<[1], [0], [0], [1], [0, 0, 1, 1], [], []>, transpose_lhs_hint = false} : vector<1000x128xf32>, vector<128x128xf32>, vector<1000x128xf32> -> vector<1000x128xf32>
    %swap3A = arith.constant 0 : index
    %swap3A_6 = arith.constant 0 : index
    %swap3A_7 = vector.load %arg3[%swap3A, %swap3A_6] : memref<1000x128xf32, #tpu.memory_space<vmem>>, vector<1000x128xf32>
    tpu.vector_store %arg3[%swap3A, %swap3A_6], %dot_general3A_5 {strides = array<i32>} : memref<1000x128xf32, #tpu.memory_space<vmem>>, vector<1000x128xf32>,
    return
  }
  func.func @transform_0(%arg0: i32) -> (i32, i32) {
    %c0_i32 = arith.constant 0 : i32
    %c0_i32_0 = arith.constant 0 : i32
    return %arg0, %c0_i32 : i32, i32
  }
  func.func @transform_1(%arg0: i32) -> (i32, i32) {
    %c0_i32 = arith.constant 0 : i32
    %c0_i32_0 = arith.constant 0 : i32
    %c0_i32_1 = arith.constant 0 : i32
    return %c0_i32, %c0_i32_0 : i32, i32
  }
  func.func @transform_2(%arg0: i32) -> (i32, i32) {
    %c0_i32 = arith.constant 0 : i32
    %c0_i32_0 = arith.constant 0 : i32
    return %arg0, %c0_i32 : i32, i32
  }
}

module attributes {stable_mosaic.version = 14 : i64} {
  func.func @_tc1_body(%arg0: i32, %arg1: memref<1000x16xf32, #tpu.memory_space<vmem>>, %arg2: memref<1000x16xf32, #tpu.memory_space<vmem>>, %arg3: memref<1000x128xf32, #tpu.memory_space<vmem>>, %arg4: memref<1000x128xf32, #tpu.memory_space<vmem>>, %arg5: memref<1000x128xf32, #tpu.memory_space<vmem>>) attributes {dimension_semantics = [#tpu.dimension_semantics<arbitrary>], iteration_bounds = array<i64: 10>, scalar_prefetch = 0 : i64, scratch_operands = 0 : i64, tpu.core_type = #tpu.core_type<tc>, window_params = [{transform_indices = @transform_0, window_bounds = array<i64: 1000, 16>}, {transform_indices = @transform_1, window_bounds = array<i64: 1000, 16>}, {transform_indices = @transform_2, window_bounds = array<i64: 1000, 128>}, {transform_indices = @transform_3, window_bounds = array<i64: 1000, 128>}, {transform_indices = @transform_4, window_bounds = array<i64: 1000, 128>}]} {
    %get3A = arith.constant 0 : index
    %get3A_0 = arith.constant 0 : index
    %get3A_1 = vector.load %arg1[%get3A, %get3A_0] : memref<1000x16xf32, #tpu.memory_space<vmem>>, vector<1000x1xf32>
    %get3A_2 = arith.constant 0 : index
    %get3A_3 = arith.constant 0 : index
    %get3A_4 = vector.load %arg2[%get3A_2, %get3A_3] : memref<1000x16xf32, #tpu.memory_space<vmem>>, vector<1000x1xf32>
    %add3A = arith.addf %get3A_1, %get3A_4 : vector<1000x1xf32>
    %add3A_5 = arith.constant 1.000000e+00 : f32
    %add3A_6 = vector.broadcast %add3A_5 : f32 to vector<1000x1xf32>
    %add3A_7 = arith.addf %add3A, %add3A_6 : vector<1000x1xf32>
    %rsqrt3A = math.rsqrt %add3A_7 : vector<1000x1xf32>
    %get3A_8 = arith.constant 0 : index
    %get3A_9 = arith.constant 0 : index
    %get3A_10 = vector.load %arg3[%get3A_8, %get3A_9] : memref<1000x128xf32, #tpu.memory_space<vmem>>, vector<1000x128xf32>
    %mul3A = vector.broadcast %rsqrt3A : vector<1000x1xf32> to vector<1000x128xf32>
    %mul3A_11 = arith.mulf %get3A_10, %mul3A : vector<1000x128xf32>
    %swap3A = arith.constant 0 : index
    %swap3A_12 = arith.constant 0 : index
    %swap3A_13 = vector.load %arg4[%swap3A, %swap3A_12] : memref<1000x128xf32, #tpu.memory_space<vmem>>, vector<1000x128xf32>
    tpu.vector_store %arg4[%swap3A, %swap3A_12], %mul3A_11 {strides = array<i32>} : memref<1000x128xf32, #tpu.memory_space<vmem>>, vector<1000x128xf32>,
    %broadcast_in_dim3A = vector.shape_cast %rsqrt3A : vector<1000x1xf32> to vector<1000x1xf32>
    %broadcast_in_dim3A_14 = vector.broadcast %broadcast_in_dim3A : vector<1000x1xf32> to vector<1000x128xf32>
    %swap3A_15 = arith.constant 0 : index
    %swap3A_16 = arith.constant 0 : index
    %swap3A_17 = vector.load %arg5[%swap3A_15, %swap3A_16] : memref<1000x128xf32, #tpu.memory_space<vmem>>, vector<1000x128xf32>
    tpu.vector_store %arg5[%swap3A_15, %swap3A_16], %broadcast_in_dim3A_14 {strides = array<i32>} : memref<1000x128xf32, #tpu.memory_space<vmem>>, vector<1000x128xf32>,
    return
  }
  func.func @transform_0(%arg0: i32) -> (i32, i32) {
    %c0_i32 = arith.constant 0 : i32
    %c0_i32_0 = arith.constant 0 : i32
    return %arg0, %c0_i32 : i32, i32
  }
  func.func @transform_1(%arg0: i32) -> (i32, i32) {
    %c0_i32 = arith.constant 0 : i32
    %c0_i32_0 = arith.constant 0 : i32
    return %arg0, %c0_i32 : i32, i32
  }
  func.func @transform_2(%arg0: i32) -> (i32, i32) {
    %c0_i32 = arith.constant 0 : i32
    %c0_i32_0 = arith.constant 0 : i32
    return %arg0, %c0_i32 : i32, i32
  }
  func.func @transform_3(%arg0: i32) -> (i32, i32) {
    %c0_i32 = arith.constant 0 : i32
    %c0_i32_0 = arith.constant 0 : i32
    return %arg0, %c0_i32 : i32, i32
  }
  func.func @transform_4(%arg0: i32) -> (i32, i32) {
    %c0_i32 = arith.constant 0 : i32
    %c0_i32_0 = arith.constant 0 : i32
    return %arg0, %c0_i32 : i32, i32
  }
}

module attributes {stable_mosaic.version = 14 : i64} {
  func.func @_tc2_body(%arg0: i32, %arg1: memref<1000x128xf32, #tpu.memory_space<vmem>>, %arg2: memref<1000x128xf32, #tpu.memory_space<vmem>>, %arg3: memref<1000x128xf32, #tpu.memory_space<vmem>>, %arg4: memref<1000x128xf32, #tpu.memory_space<vmem>>, %arg5: memref<128x128xf32, #tpu.memory_space<vmem>>, %arg6: memref<1x128xf32, #tpu.memory_space<vmem>>, %arg7: memref<1000x128xf32, #tpu.memory_space<vmem>>) attributes {dimension_semantics = [#tpu.dimension_semantics<arbitrary>], iteration_bounds = array<i64: 10>, scalar_prefetch = 0 : i64, scratch_operands = 0 : i64, tpu.core_type = #tpu.core_type<tc>, window_params = [{transform_indices = @transform_0, window_bounds = array<i64: 1000, 128>}, {transform_indices = @transform_1, window_bounds = array<i64: 1000, 128>}, {transform_indices = @transform_2, window_bounds = array<i64: 1000, 128>}, {transform_indices = @transform_3, window_bounds = array<i64: 1000, 128>}, {pipeline_mode = #tpu.pipeline_mode<synchronous>, transform_indices = @transform_4, window_bounds = array<i64: 128, 128>}, {pipeline_mode = #tpu.pipeline_mode<synchronous>, transform_indices = @transform_5, window_bounds = array<i64: 1, 128>}, {transform_indices = @transform_6, window_bounds = array<i64: 1000, 128>}]} {
    %get3A = arith.constant 0 : index
    %get3A_0 = arith.constant 0 : index
    %get3A_1 = vector.load %arg1[%get3A, %get3A_0] : memref<1000x128xf32, #tpu.memory_space<vmem>>, vector<1000x128xf32>
    %get3A_2 = arith.constant 0 : index
    %get3A_3 = arith.constant 0 : index
    %get3A_4 = vector.load %arg2[%get3A_2, %get3A_3] : memref<1000x128xf32, #tpu.memory_space<vmem>>, vector<1000x128xf32>
    %add3A = arith.addf %get3A_1, %get3A_4 : vector<1000x128xf32>
    %get3A_5 = arith.constant 0 : index
    %get3A_6 = arith.constant 0 : index
    %get3A_7 = vector.load %arg3[%get3A_5, %get3A_6] : memref<1000x128xf32, #tpu.memory_space<vmem>>, vector<1000x128xf32>
    %add3A_8 = arith.addf %add3A, %get3A_7 : vector<1000x128xf32>
    %get3A_9 = arith.constant 0 : index
    %get3A_10 = arith.constant 0 : index
    %get3A_11 = vector.load %arg4[%get3A_9, %get3A_10] : memref<1000x128xf32, #tpu.memory_space<vmem>>, vector<1000x128xf32>
    %mul3A = arith.mulf %add3A_8, %get3A_11 : vector<1000x128xf32>
    %get3A_12 = arith.constant 0 : index
    %get3A_13 = arith.constant 0 : index
    %get3A_14 = vector.load %arg6[%get3A_12, %get3A_13] : memref<1x128xf32, #tpu.memory_space<vmem>>, vector<1x128xf32>
    %add3A_15 = vector.broadcast %get3A_14 : vector<1x128xf32> to vector<1000x128xf32>
    %add3A_16 = arith.addf %mul3A, %add3A_15 : vector<1000x128xf32>
    %max3A = arith.constant 0.000000e+00 : f32
    %max3A_17 = vector.broadcast %max3A : f32 to vector<1000x128xf32>
    %max3A_18 = arith.maximumf %add3A_16, %max3A_17 : vector<1000x128xf32>
    %get3A_19 = arith.constant 0 : index
    %get3A_20 = arith.constant 0 : index
    %get3A_21 = vector.load %arg5[%get3A_19, %get3A_20] : memref<128x128xf32, #tpu.memory_space<vmem>>, vector<128x128xf32>
    %dot_general3A = arith.constant dense<0.000000e+00> : vector<1000x128xf32>
    %dot_general3A_22 = tpu.matmul %max3A_18, %get3A_21, %dot_general3A {dimension_numbers = #tpu.dot_dimension_numbers<[1], [0], [0], [1], [0, 0, 1, 1], [], []>, transpose_lhs_hint = false} : vector<1000x128xf32>, vector<128x128xf32>, vector<1000x128xf32> -> vector<1000x128xf32>
    %get3A_23 = arith.constant 0 : index
    %get3A_24 = arith.constant 0 : index
    %get3A_25 = vector.load %arg4[%get3A_23, %get3A_24] : memref<1000x128xf32, #tpu.memory_space<vmem>>, vector<1000x128xf32>
    %mul3A_26 = arith.mulf %dot_general3A_22, %get3A_25 : vector<1000x128xf32>
    %swap3A = arith.constant 0 : index
    %swap3A_27 = arith.constant 0 : index
    %swap3A_28 = vector.load %arg7[%swap3A, %swap3A_27] : memref<1000x128xf32, #tpu.memory_space<vmem>>, vector<1000x128xf32>
    tpu.vector_store %arg7[%swap3A, %swap3A_27], %mul3A_26 {strides = array<i32>} : memref<1000x128xf32, #tpu.memory_space<vmem>>, vector<1000x128xf32>,
    return
  }
  func.func @transform_0(%arg0: i32) -> (i32, i32) {
    %c0_i32 = arith.constant 0 : i32
    %c0_i32_0 = arith.constant 0 : i32
    return %arg0, %c0_i32 : i32, i32
  }
  func.func @transform_1(%arg0: i32) -> (i32, i32) {
    %c0_i32 = arith.constant 0 : i32
    %c0_i32_0 = arith.constant 0 : i32
    return %arg0, %c0_i32 : i32, i32
  }
  func.func @transform_2(%arg0: i32) -> (i32, i32) {
    %c0_i32 = arith.constant 0 : i32
    %c0_i32_0 = arith.constant 0 : i32
    return %arg0, %c0_i32 : i32, i32
  }
  func.func @transform_3(%arg0: i32) -> (i32, i32) {
    %c0_i32 = arith.constant 0 : i32
    %c0_i32_0 = arith.constant 0 : i32
    return %arg0, %c0_i32 : i32, i32
  }
  func.func @transform_4(%arg0: i32) -> (i32, i32) {
    %c0_i32 = arith.constant 0 : i32
    %c0_i32_0 = arith.constant 0 : i32
    %c0_i32_1 = arith.constant 0 : i32
    return %c0_i32, %c0_i32_0 : i32, i32
  }
  func.func @transform_5(%arg0: i32) -> (i32, i32) {
    %c0_i32 = arith.constant 0 : i32
    %c0_i32_0 = arith.constant 0 : i32
    %c0_i32_1 = arith.constant 0 : i32
    return %c0_i32, %c0_i32_0 : i32, i32
  }
  func.func @transform_6(%arg0: i32) -> (i32, i32) {
    %c0_i32 = arith.constant 0 : i32
    %c0_i32_0 = arith.constant 0 : i32
    return %arg0, %c0_i32 : i32, i32
  }
}

module attributes {stable_mosaic.version = 14 : i64} {
  func.func @_tc3_body(%arg0: i32, %arg1: memref<1000x128xf32, #tpu.memory_space<vmem>>, %arg2: memref<1000x128xf32, #tpu.memory_space<vmem>>, %arg3: memref<1000x128xf32, #tpu.memory_space<vmem>>, %arg4: memref<1000x128xf32, #tpu.memory_space<vmem>>, %arg5: memref<1x128xf32, #tpu.memory_space<vmem>>, %arg6: memref<128x1xf32, #tpu.memory_space<vmem>>, %arg7: memref<1x1xf32, #tpu.memory_space<vmem>>, %arg8: memref<1000x1xf32, #tpu.memory_space<vmem>>) attributes {dimension_semantics = [#tpu.dimension_semantics<arbitrary>], iteration_bounds = array<i64: 10>, scalar_prefetch = 0 : i64, scratch_operands = 0 : i64, tpu.core_type = #tpu.core_type<tc>, window_params = [{transform_indices = @transform_0, window_bounds = array<i64: 1000, 128>}, {transform_indices = @transform_1, window_bounds = array<i64: 1000, 128>}, {transform_indices = @transform_2, window_bounds = array<i64: 1000, 128>}, {transform_indices = @transform_3, window_bounds = array<i64: 1000, 128>}, {pipeline_mode = #tpu.pipeline_mode<synchronous>, transform_indices = @transform_4, window_bounds = array<i64: 1, 128>}, {pipeline_mode = #tpu.pipeline_mode<synchronous>, transform_indices = @transform_5, window_bounds = array<i64: 128, 1>}, {pipeline_mode = #tpu.pipeline_mode<synchronous>, transform_indices = @transform_6, window_bounds = array<i64: 1, 1>}, {transform_indices = @transform_7, window_bounds = array<i64: 1000, 1>}]} {
    %get3A = arith.constant 0 : index
    %get3A_0 = arith.constant 0 : index
    %get3A_1 = vector.load %arg1[%get3A, %get3A_0] : memref<1000x128xf32, #tpu.memory_space<vmem>>, vector<1000x128xf32>
    %get3A_2 = arith.constant 0 : index
    %get3A_3 = arith.constant 0 : index
    %get3A_4 = vector.load %arg2[%get3A_2, %get3A_3] : memref<1000x128xf32, #tpu.memory_space<vmem>>, vector<1000x128xf32>
    %add3A = arith.addf %get3A_1, %get3A_4 : vector<1000x128xf32>
    %get3A_5 = arith.constant 0 : index
    %get3A_6 = arith.constant 0 : index
    %get3A_7 = vector.load %arg3[%get3A_5, %get3A_6] : memref<1000x128xf32, #tpu.memory_space<vmem>>, vector<1000x128xf32>
    %add3A_8 = arith.addf %add3A, %get3A_7 : vector<1000x128xf32>
    %get3A_9 = arith.constant 0 : index
    %get3A_10 = arith.constant 0 : index
    %get3A_11 = vector.load %arg4[%get3A_9, %get3A_10] : memref<1000x128xf32, #tpu.memory_space<vmem>>, vector<1000x128xf32>
    %mul3A = arith.mulf %add3A_8, %get3A_11 : vector<1000x128xf32>
    %get3A_12 = arith.constant 0 : index
    %get3A_13 = arith.constant 0 : index
    %get3A_14 = vector.load %arg5[%get3A_12, %get3A_13] : memref<1x128xf32, #tpu.memory_space<vmem>>, vector<1x128xf32>
    %add3A_15 = vector.broadcast %get3A_14 : vector<1x128xf32> to vector<1000x128xf32>
    %add3A_16 = arith.addf %mul3A, %add3A_15 : vector<1000x128xf32>
    %max3A = arith.constant 0.000000e+00 : f32
    %max3A_17 = vector.broadcast %max3A : f32 to vector<1000x128xf32>
    %max3A_18 = arith.maximumf %add3A_16, %max3A_17 : vector<1000x128xf32>
    %get3A_19 = arith.constant 0 : index
    %get3A_20 = arith.constant 0 : index
    %get3A_21 = vector.load %arg6[%get3A_19, %get3A_20] : memref<128x1xf32, #tpu.memory_space<vmem>>, vector<128x1xf32>
    %dot_general3A = arith.constant dense<0.000000e+00> : vector<1000x1xf32>
    %dot_general3A_22 = tpu.matmul %max3A_18, %get3A_21, %dot_general3A {dimension_numbers = #tpu.dot_dimension_numbers<[1], [0], [0], [1], [0, 0, 1, 1], [], []>, transpose_lhs_hint = false} : vector<1000x128xf32>, vector<128x1xf32>, vector<1000x1xf32> -> vector<1000x1xf32>
    %get3A_23 = arith.constant 0 : index
    %get3A_24 = arith.constant 0 : index
    %get3A_25 = vector.load %arg7[%get3A_23, %get3A_24] : memref<1x1xf32, #tpu.memory_space<vmem>>, vector<1x1xf32>
    %add3A_26 = vector.broadcast %get3A_25 : vector<1x1xf32> to vector<1000x1xf32>
    %add3A_27 = arith.addf %dot_general3A_22, %add3A_26 : vector<1000x1xf32>
    %swap3A = arith.constant 0 : index
    %swap3A_28 = arith.constant 0 : index
    %swap3A_29 = vector.load %arg8[%swap3A, %swap3A_28] : memref<1000x1xf32, #tpu.memory_space<vmem>>, vector<1000x1xf32>
    tpu.vector_store %arg8[%swap3A, %swap3A_28], %add3A_27 {strides = array<i32>} : memref<1000x1xf32, #tpu.memory_space<vmem>>, vector<1000x1xf32>,
    return
  }
  func.func @transform_0(%arg0: i32) -> (i32, i32) {
    %c0_i32 = arith.constant 0 : i32
    %c0_i32_0 = arith.constant 0 : i32
    return %arg0, %c0_i32 : i32, i32
  }
  func.func @transform_1(%arg0: i32) -> (i32, i32) {
    %c0_i32 = arith.constant 0 : i32
    %c0_i32_0 = arith.constant 0 : i32
    return %arg0, %c0_i32 : i32, i32
  }
  func.func @transform_2(%arg0: i32) -> (i32, i32) {
    %c0_i32 = arith.constant 0 : i32
    %c0_i32_0 = arith.constant 0 : i32
    return %arg0, %c0_i32 : i32, i32
  }
  func.func @transform_3(%arg0: i32) -> (i32, i32) {
    %c0_i32 = arith.constant 0 : i32
    %c0_i32_0 = arith.constant 0 : i32
    return %arg0, %c0_i32 : i32, i32
  }
  func.func @transform_4(%arg0: i32) -> (i32, i32) {
    %c0_i32 = arith.constant 0 : i32
    %c0_i32_0 = arith.constant 0 : i32
    %c0_i32_1 = arith.constant 0 : i32
    return %c0_i32, %c0_i32_0 : i32, i32
  }
  func.func @transform_5(%arg0: i32) -> (i32, i32) {
    %c0_i32 = arith.constant 0 : i32
    %c0_i32_0 = arith.constant 0 : i32
    %c0_i32_1 = arith.constant 0 : i32
    return %c0_i32, %c0_i32_0 : i32, i32
  }
  func.func @transform_6(%arg0: i32) -> (i32, i32) {
    %c0_i32 = arith.constant 0 : i32
    %c0_i32_0 = arith.constant 0 : i32
    %c0_i32_1 = arith.constant 0 : i32
    return %c0_i32, %c0_i32_0 : i32, i32
  }
  func.func @transform_7(%arg0: i32) -> (i32, i32) {
    %c0_i32 = arith.constant 0 : i32
    %c0_i32_0 = arith.constant 0 : i32
    return %arg0, %c0_i32 : i32, i32
  }
}

</mosaic_0001>

<sc_bundles>
// kernel: kernel.12.cloned.1.call-start
scs
__scs_entry_jumppad:
0x0: {  	(pc) =	sbr.rel $0x88, $3  }
0x1: {  	(tag) =	ssettag $0x0;
	lr =	simm.s32 $0x1  }
0x2: {  	[smem:$0x3F99] =	sst lr;
	_ =	strace $0xD0000000  }
0x3: {  	_ = 	snop  }
0x4: {  	_ = 	snop  }
0x5: {  	_ = 	snop  }
0x6: {  	_ = 	snop  }
0x7: {  	_ = 	snop  }
__scs_overlays_trampoline_lowered:
0x8: {  	[smem:$0x3FA8] =	sst s0  }
0x9: {  	[smem:$0x3FA9] =	sst s1  }
0xa: {  	[smem:$0x3FAA] =	sst s2  }
0xb: {  	[smem:$0x3FAB] =	sst s3  }
0xc: {  	[smem:$0x3FAC] =	sst s4  }
0xd: {  	[smem:$0x3FAD] =	sst s5  }
0xe: {  	[smem:$0x3FAE] =	sst s6  }
0xf: {  	[smem:$0x3FAF] =	sst s7  }
0x10: {  	[smem:$0x3FB0] =	sst s8  }
0x11: {  	[smem:$0x3FB1] =	sst s9;
	s0 =	simm.s32 @!p0 $0x0  }
0x12: {  	s1 =	sld [smem:$0x3F97];
	s0 =	simm.s32 @p0 $0x1  }
0x13: {  	[smem:$0x3FB2] =	sst s0;
	s0 =	simm.s32 @!p1 $0x0  }
0x14: {  	s2 =	sld [smem:$0x3F96];
	s0 =	simm.s32 @p1 $0x1  }
0x15: {  	[smem:$0x3FB3] =	sst s0;
	s0 =	simm.s32 @!p2 $0x0  }
0x16: {  	s3 =	sld [smem:$0x3FDB];
	s0 =	simm.s32 @p2 $0x1  }
0x17: {  	s4 =	simm.s32 $0x1BF5;
	[smem:$0x3FB5] =	sst s0  }
0x18: {  	s0 =	sld [smem:$0x3F98];
	_ =	swait.ge [sflag:s4], $0x0  }
0x19: {  	s7 =	sld [smem:$0x3F99]  }
0x1a: {  	s8 =	sadd.s32 $0xFFFFE003, lr  }
0x1b: {  	s9 =	sadd.s32 $0xFFFFFEF7, lr;
	s5 =	simm.s32 $0xFFFFFFFF;
	p2 =	slt.u32 s8, $0xFFFFF086  }
0x1c: {  	p1 =	slt.u32 s9, $0xF7A;
	s5 =	simm.s32 @!p2 $0x0  }
0x1d: {  	s5 =	simm.s32 @p1 $0x1;
	p0 =	seq.s32 s7, s2  }
0x1e: {  	s7 =	smul.u32 @!p0 $0xF7A, s2;
	p2 =	seq.s32 @!p0 s5, $0x0  }
0x1f: {  	s9 =	smul.u32 $0xF7A, s1;
	s8 =	simm.s32 @!p0 $0x1BF5;
	p2 =	por !p2, p0  }
0x20: {  	[sflag:s8] =	ssyncset.s32 @!p0 $0xFFFFF086;
	s6 =	sadd.s32 @!p0 s3, s7;
	s7 =	simm.s32 @!p0 $0x108  }
0x21: {  	s3 =	sadd.s32 s3, s9;
	s6 =	sadd.s32 @!p0 $0x88, s6;
	s7 =	simm.s32 @p2 $0x1082  }
0x22: {  	[simem:s7], [sflag:s8] =	dma.local @!p0 [hbm:s6], $0xF7A  }
0x23: {  	s9 =	sor.u32 $0xD0000000, s2;
	s6 =	simm.s32 $0x108;
	_ =	swait.ge @!p0 [sflag:s8], $0x0  }
0x24: {  	s3 =	sadd.s32 $0x88, s3;
	s6 =	simm.s32 @!p1 $0x1082;
	[sflag:s4] =	ssyncset.s32 $0xFFFFF086  }
0x25: {  	[simem:s6], [sflag:s4] =	dma.local [hbm:s3], $0xF7A  }
0x26: {  	[smem:$0x3F99] =	sst s1;
	(tag) =	ssettag s2;
	_ =	strace s9  }
0x27: {  	s1 =	sld [smem:$0x3FA9]  }
0x28: {  	s2 =	sld [smem:$0x3FAA]  }
0x29: {  	s4 =	sld [smem:$0x3FAC]  }
0x2a: {  	p0 =	seq.s32 s5, $0x0;
	s5 =	sld [smem:$0x3FAD]  }
0x2b: {  	s6 =	sld [smem:$0x3FAE]  }
0x2c: {  	s7 =	sld [smem:$0x3FAF]  }
0x2d: {  	s3 =	simm.s32 $0x108;
	s8 =	sld [smem:$0x3FB0]  }
0x2e: {  	s3 =	simm.s32 @!p0 $0x1082;
	s9 =	sld [smem:$0x3FB1]  }
0x2f: {  	lr =	sadd.s32 s0, s3;
	s0 =	sld [smem:$0x3FA8]  }
0x30: {  	s3 =	sld [smem:$0x3FAB]  }
0x31: {  	[smem:$0x3FB4] =	sst s10  }
0x32: {  	s10 =	sld [smem:$0x3FB2];
	_ =	sdelay $0x3  }
0x33: {  	p0 =	seq.s32 s10, $0x1;
	s10 =	sld [smem:$0x3FB4];
	_ =	sdelay $0x3  }
0x34: {  	[smem:$0x3FB4] =	sst s10  }
0x35: {  	s10 =	sld [smem:$0x3FB3];
	_ =	sdelay $0x3  }
0x36: {  	p1 =	seq.s32 s10, $0x1;
	s10 =	sld [smem:$0x3FB4];
	_ =	sdelay $0x3  }
0x37: {  	[smem:$0x3FB4] =	sst s10  }
0x38: {  	s10 =	sld [smem:$0x3FB5]  }
0x39: {  	_ = 	snop;
	(pc) =	sbr.ind lr, $3  }
0x3a: {  	_ = 	snop  }
0x3b: {  	_ = 	snop  }
0x3c: {  	p2 =	seq.s32 s10, $0x1;
	s10 =	sld [smem:$0x3FB4]  }
0x3d: {  	_ =	shalt  }
0x3e: {  	_ =	shalt  }
0x3f: {  	_ =	shalt  }
0x40: {  	_ =	shalt  }
0x41: {  	_ =	shalt  }
0x42: {  	_ =	shalt  }
0x43: {  	_ =	shalt  }
0x44: {  	_ =	shalt  }
0x45: {  	_ =	shalt  }
0x46: {  	_ =	shalt  }
0x47: {  	_ =	shalt  }
0x48: {  	_ =	shalt  }
0x49: {  	_ =	shalt  }
0x4a: {  	_ =	shalt  }
0x4b: {  	_ =	shalt  }
0x4c: {  	_ =	shalt  }
0x4d: {  	_ =	shalt  }
0x4e: {  	_ =	shalt  }
0x4f: {  	_ =	shalt  }
0x50: {  	_ =	shalt  }
0x51: {  	_ =	shalt  }
0x52: {  	_ =	shalt  }
0x53: {  	_ =	shalt  }
0x54: {  	_ =	shalt  }
0x55: {  	_ =	shalt  }
0x56: {  	_ =	shalt  }
0x57: {  	_ =	shalt  }
0x58: {  	_ =	shalt  }
0x59: {  	_ =	shalt  }
0x5a: {  	_ =	shalt  }
0x5b: {  	_ =	shalt  }
0x5c: {  	_ =	shalt  }
0x5d: {  	_ =	shalt  }
0x5e: {  	_ =	shalt  }
0x5f: {  	_ =	shalt  }
0x60: {  	_ =	shalt  }
0x61: {  	_ =	shalt  }
0x62: {  	_ =	shalt  }
0x63: {  	_ =	shalt  }
0x64: {  	_ =	shalt  }
0x65: {  	_ =	shalt  }
0x66: {  	_ =	shalt  }
0x67: {  	_ =	shalt  }
0x68: {  	_ =	shalt  }
0x69: {  	_ =	shalt  }
0x6a: {  	_ =	shalt  }
0x6b: {  	_ =	shalt  }
0x6c: {  	_ =	shalt  }
0x6d: {  	_ =	shalt  }
0x6e: {  	_ =	shalt  }
0x6f: {  	_ =	shalt  }
0x70: {  	_ =	shalt  }
0x71: {  	_ =	shalt  }
0x72: {  	_ =	shalt  }
0x73: {  	_ =	shalt  }
0x74: {  	_ =	shalt  }
0x75: {  	_ =	shalt  }
0x76: {  	_ =	shalt  }
0x77: {  	_ =	shalt  }
0x78: {  	_ =	shalt  }
0x79: {  	_ =	shalt  }
0x7a: {  	_ =	shalt  }
0x7b: {  	_ =	shalt  }
0x7c: {  	_ =	shalt  }
0x7d: {  	_ =	shalt  }
0x7e: {  	_ =	shalt  }
0x7f: {  	_ =	shalt  }
0x80: {  	_ =	shalt  }
0x81: {  	_ =	shalt  }
0x82: {  	_ =	shalt  }
0x83: {  	_ =	shalt  }
0x84: {  	_ =	shalt  }
0x85: {  	_ =	shalt  }
0x86: {  	_ =	shalt  }
0x87: {  	_ =	shalt  }
.Lfunc_end0:
.L_simem_size_0:
called_computation.1_lowered:
.L_overlay_start_0:
0x88: {  	s2 =	sld [smem:$0x3FD9]  }
0x89: {  	s3 =	sld [smem:$0x3FFE];
	_ =	sdelay $0x1  }
0x8a: {  	s1 =	srdreg.scid  }
0x8b: {  	s0 =	sand.u32 $0x1, s1  }
0x8c: {  	s16 =	sshll.u32 s0, $0xA;
	s2 =	sadd.s32 s3, s2  }
0x8d: {  	s2 =	sadd.s32 s2, s16  }
0x8e: {  	[smem:$0x3FC0] =	sst s2  }
0x8f: {  	_ = 	snop  }
0x90: {  	(tm) =	ssettm $0x1  }
0x91: {  	s17 =	sld [smem:$0x3FFB];
	_ =	sdelay $0x3  }
0x92: {  	_ =	strace s17  }
0x93: {  	s2 =	sld [smem:$0x3FFC];
	_ =	sdelay $0x3  }
0x94: {  	_ =	strace s2  }
0x95: {  	s2 =	sld [smem:$0x3FFD];
	_ =	sdelay $0x3  }
0x96: {  	_ =	strace s2  }
0x97: {  	_ =	strace $0x8FFFFFFF  }
0x98: {  	s18 =	sld [smem:$0x3FDB];
	_ =	sdelay $0x1  }
0x99: {  	s19 =	simm.s32 $_scs_section_size  }
0x9a: {  	s4 =	simm.s32 $_size__tile_overlayer_lowered;
	s5 =	simm.s32 $_tile_overlayer_lowered  }
0x9b: {  	s22 =	simm.s32 $0x1BFF;
	s21 =	sshll.u32 s5, $0x1;
	s2 =	sadd.s32 s19, s18  }
0x9c: {  	s6 =	simm.s32 $0x0;
	s20 =	sshll.u32 s4, $0x1;
	s4 =	sadd.s32 s21, s2  }
0x9d: {  	[timem:s6], [sflag:s22] =	dma.local [hbm:s4], s20  }
0x9e: {  	_ =	swait.ge [sflag:s22], s20  }
0x9f: {  	s3 =	ssub.s32 $0x0, s20;
	[sflag:s22] =	ssyncset.done $0x0  }
0xa0: {  	[sflag:s22] =	ssyncadd.s32 s3;
	_ =	sdelay $0x1  }
0xa1: {  	s23 =	simm.s32 $0x1B8B  }
0xa2: {  	_ =	swait.ge [sflag:s23], $0x1  }
0xa3: {  	[sflag:s23] =	ssyncset.done $0x0  }
0xa4: {  	s25 =	simm.s32 $0x1B8E;
	s24 =	sld [smem:$0x3FFE];
	[sflag:s23] =	ssyncadd.s32 $0xFFFFFFFF  }
0xa5: {  	s26 =	simm.s32 $execute0_lowered;
	[smem:$0x3FD2] =	sst s25  }
0xa6: {  	s4 =	sshll.u32 s26, $0x1;
	_ =	strace $0x80000049;
	[dreg:$0x1] =	wrdreg $0xFFFFFFFF  }
0xa7: {  	s28 =	simm.s32 $_size_execute0_lowered;
	s2 =	sadd.s32 s2, s4;
	[dreg:$0x0] =	wrdreg $0x0  }
0xa8: {  	s4 =	sshll.u32 s28, $0x1;
	[dreg:$0x2] =	wrdreg s2  }
0xa9: {  	[dreg:$0x3] =	wrdreg s4  }
0xaa: {  	[dreg:$0x4] =	wrdreg $0xC0  }
0xab: {  	_ =	task [dreg:s6], $0x5FFFF  }
0xac: {  	[dreg:$0x1] =	wrdreg $0xFFFFFFFF  }
0xad: {  	[dreg:$0x0] =	wrdreg $0x60  }
0xae: {  	[dreg:$0x2] =	wrdreg s24  }
0xaf: {  	[dreg:$0x3] =	wrdreg $0xA8000  }
0xb0: {  	[dreg:$0x4] =	wrdreg $0x9  }
0xb1: {  	_ =	task.clear_ibuf [dreg:s6], $0x5FFFF;
	_ =	strace $0x90000049  }
0xb2: {  	s29 =	simm.s32 $0x9;
	_ =	strace $0x8000004B  }
0xb3: {  	_ =	swait.ge [sflag:s29], $0x1  }
0xb4: {  	[sflag:s29] =	ssyncadd.s32 $0xFFFFFFFF  }
0xb5: {  	_ =	strace $0x9000004B  }
0xb6: {  	_ =	sfence  }
0xb7: {  	s30 =	sld [smem:$0x0];
	_ =	sdelay $0x2  }
0xb8: {  	s31 =	sshll.u32 s1, $0xD;
	s1 =	sshrl.u32 s1, $0x2  }
0xb9: {  	s3 =	sand.u32 $0x4000, s31;
	s1 =	sadd.s32 s1, s30  }
0xba: {  	s0 =	sor.u32 s3, s0;
	s1 =	sshll.u32 s1, $0x11  }
0xbb: {  	s0 =	sor.u32 s1, s0  }
0xbc: {  	s0 =	sadd.s32 $0x8F2B, s0  }
0xbd: {  	[sflag:s0] =	ssyncadd.remote.s32 $0x1  }
0xbe: {  	_ =	sfence.sel $0xFFFF  }
0xbf: {  	[dreg:$0x0] =	wrdreg $0xFFFFFFFF;
	(pc) =	sbr.abs _section_cstart, $3  }
0xc0: {  	[dreg:$0x1] =	wrdreg $0xFFFFFFFF  }
0xc1: {  	_ =	task.clear_ibuf [dreg:s6], $0x2FFFF;
	_ =	strace $0x9FFFFFFF  }
0xc2: {  	(tm) =	ssettm $0x7FFFFFFF  }
0xc3: {  	_ =	shalt  }
tec
execute0_lowered:
.L_overlay_start_1:
0x0: {  	(tag) =	ssettag $0x1  }
0x1: {  	s5 =	rddreg [dreg:$0x0]  }
0x2: {  	s1 =	rddreg [dreg:$0x1]  }
0x3: {  	s0 =	rddreg [dreg:$0x2]  }
0x4: {  	s3 =	simm.s32 $0x0;
	s2 =	srdreg.scid;
	s17 =	simm.s32 $0x8000  }
0x5: {  	s18 =	simm.s32 $0x1;
	s19 =	simm.s32 $0x4000;
	s6 =	sand.u32 $0x1, s2  }
0x6: {  	s20 =	simm.s32 $0x50;
	s2 =	stileid.u32;
	s7 =	smul.u32 $0x140000, s6  }
0x7: {  	[smem:$0x7FF] =	sst s3;
	s4 =	sshll.u32 s2, $0xC;
	s9 =	smul.u32 $0x14000, s2  }
0x8: {  	s8 =	sshll.u32 s6, $0xB;
	_ =	strace $0x8000004A;
	s10 =	smul.u32 $0x50000, s2  }
0x9: {  	s6 =	ssub.s32 $0x2, s6;
	s21 =	sshll.u32 s2, $0x6;
	s8 =	sor.u32 s8, s4  }
0xa: {  	s4 =	sadd.s32 $0x12C00, s5;
	s31 =	sshrl.u32 s6, $0x1;
	s21 =	sor.u32 $0x1C01, s21  }
0xb: {  	s14 =	sadd.s32 s8, s5;
	s7 =	sadd.s32 s9, s7;
	s30 =	sshrl.u32 s10, $0x2  }
0xc: {  	s16 =	ssub.s32 s6, s31;
	s7 =	sshrl.u32 s7, $0x3;
	s13 =	sadd.s32 $0x62C00, s14  }
0xd: {  	s14 =	sadd.s32 $0x2C00, s14;
	s15 =	sadd.s32 s7, s5;
	s5 =	sadd.s32 s30, s1  }
0xe: {  	s16 =	smax.u32 s16, $0x1;
	s6 =	sadd.s32 $0x2800, s5;
	s7 =	sadd.s32 $0x5000, s5  }
0xf: {  	s8 =	sadd.s32 $0x7800, s5;
	s9 =	sadd.s32 $0xA000, s5;
	s10 =	sadd.s32 $0xC800, s5  }
0x10: {  	v0 =	vimm.f32 $0.0e+00;
	s11 =	sadd.s32 $0xF000, s5;
	s12 =	sadd.s32 $0x11800, s5;
	s15 =	sadd.s32 $0x72C00, s15  }
.LBB2_1:
0x11: {  	s22 =	simm.s32 $0x0;
	s23 =	simm.s32 $0x200  }
.LBB2_2:
0x12: {  	p0 =	sne.s32 s23, $0x9E00;
	[tilespmem:s22+$0x8070] =	vst v0  }
0x13: {  	[tilespmem:s22+$0x8000] =	vst v0  }
0x14: {  	[tilespmem:s22+$0x8010] =	vst v0  }
.Ltmp0:
0x15: {  	[tilespmem:s22+$0x8020] =	vst v0;
	(pc) =	sbr.rel @p0 .LBB2_2-.Ltmp0, $4  }
0x16: {  	[tilespmem:s22+$0x8030] =	vst v0  }
0x17: {  	[tilespmem:s22+$0x8040] =	vst v0  }
0x18: {  	[tilespmem:s22+$0x8050] =	vst v0  }
0x19: {  	[tilespmem:s22+$0x8060] =	vst v0;
	s22 =	sshra.s32 s23, $0x2;
	s23 =	sadd.s32 $0x200, s23  }
0x1a: {  	[tilespmem:s22+$0x8070] =	vst v0  }
0x1b: {  	[tilespmem:s22+$0x8000] =	vst v0  }
0x1c: {  	[tilespmem:s22+$0x8010] =	vst v0  }
0x1d: {  	[tilespmem:s22+$0x8020] =	vst v0  }
0x1e: {  	[tilespmem:s22+$0x8030] =	vst v0  }
0x1f: {  	[tilespmem:s22+$0x8040] =	vst v0  }
0x20: {  	[tilespmem:s22+$0x8050] =	vst v0  }
0x21: {  	[tilespmem:s22+$0x8060] =	vst v0  }
0x22: {  	[spmem:s5] =	stream.linear.scatter [tilespmem:s17], [sflag:$0x1], $0x2800, $0x38;
	[tilespmem:$0x1E800] =	vst v63  }
0x23: {  	_ =	swait.ge [sflag:s18], $0x2800  }
0x24: {  	[sflag:s18] =	ssyncset.done $0x0  }
0x25: {  	[sflag:s18] =	ssyncadd.s32 $0xFFFFD800  }
0x26: {  	[spmem:s6] =	stream.linear.scatter [tilespmem:s17], [sflag:$0x1], $0x2800, $0x38;
	[tilespmem:$0x1E800] =	vst v63  }
0x27: {  	_ =	swait.ge [sflag:s18], $0x2800  }
0x28: {  	[sflag:s18] =	ssyncset.done $0x0  }
0x29: {  	[sflag:s18] =	ssyncadd.s32 $0xFFFFD800  }
0x2a: {  	[spmem:s7] =	stream.linear.scatter [tilespmem:s17], [sflag:$0x1], $0x2800, $0x38;
	[tilespmem:$0x1E800] =	vst v63  }
0x2b: {  	_ =	swait.ge [sflag:s18], $0x2800  }
0x2c: {  	[sflag:s18] =	ssyncset.done $0x0  }
0x2d: {  	[sflag:s18] =	ssyncadd.s32 $0xFFFFD800  }
0x2e: {  	[spmem:s8] =	stream.linear.scatter [tilespmem:s17], [sflag:$0x1], $0x2800, $0x38;
	[tilespmem:$0x1E800] =	vst v63  }
0x2f: {  	_ =	swait.ge [sflag:s18], $0x2800  }
0x30: {  	[sflag:s18] =	ssyncset.done $0x0  }
0x31: {  	[sflag:s18] =	ssyncadd.s32 $0xFFFFD800  }
0x32: {  	[spmem:s9] =	stream.linear.scatter [tilespmem:s17], [sflag:$0x1], $0x2800, $0x38;
	[tilespmem:$0x1E800] =	vst v63  }
0x33: {  	_ =	swait.ge [sflag:s18], $0x2800  }
0x34: {  	[sflag:s18] =	ssyncset.done $0x0  }
0x35: {  	[sflag:s18] =	ssyncadd.s32 $0xFFFFD800  }
0x36: {  	[spmem:s10] =	stream.linear.scatter [tilespmem:s17], [sflag:$0x1], $0x2800, $0x38;
	[tilespmem:$0x1E800] =	vst v63  }
0x37: {  	_ =	swait.ge [sflag:s18], $0x2800  }
0x38: {  	[sflag:s18] =	ssyncset.done $0x0  }
0x39: {  	[sflag:s18] =	ssyncadd.s32 $0xFFFFD800  }
0x3a: {  	[spmem:s11] =	stream.linear.scatter [tilespmem:s17], [sflag:$0x1], $0x2800, $0x38;
	[tilespmem:$0x1E800] =	vst v63  }
0x3b: {  	_ =	swait.ge [sflag:s18], $0x2800  }
0x3c: {  	[sflag:s18] =	ssyncset.done $0x0  }
0x3d: {  	[sflag:s18] =	ssyncadd.s32 $0xFFFFD800  }
0x3e: {  	[spmem:s12] =	stream.linear.scatter [tilespmem:s17], [sflag:$0x1], $0x2800, $0x38;
	[tilespmem:$0x1E800] =	vst v63  }
0x3f: {  	_ =	swait.ge [sflag:s18], $0x2800  }
0x40: {  	[sflag:s18] =	ssyncset.done $0x0  }
0x41: {  	s29 =	simm.s32 $0x0;
	[sflag:s18] =	ssyncadd.s32 $0xFFFFD800  }
0x42: {  	[tilespmem:s29], [sflag:$0x1] =	stream.linear.gather [hbm4b:s13+s29], $0x3E80, $0x38;
	[tilespmem:$0x1E800] =	vst v63  }
0x43: {  	_ =	swait.ge [sflag:s18], $0x3E80  }
0x44: {  	[sflag:s18] =	ssyncset.done $0x0  }
0x45: {  	[sflag:s18] =	ssyncadd.s32 $0xFFFFC180  }
0x46: {  	[tilespmem:s19], [sflag:$0x1] =	stream.linear.gather [hbm4b:s14+s29], $0x3E80, $0x38;
	[tilespmem:$0x1E800] =	vst v63  }
0x47: {  	_ =	swait.ge [sflag:s18], $0x3E80  }
0x48: {  	[sflag:s18] =	ssyncset.done $0x0  }
0x49: {  	[sflag:s18] =	ssyncadd.s32 $0xFFFFC180  }
0x4a: {  	s30 =	simm.s32 $0x0;
	[bflag:$0x0] =	sbarrier.arrive $0xFFFF  }
0x4b: {  	[tilespmem:s17], [sflag:$0x1] =	stream.indirect.gather [hbm4b:s4+s20], $0x80, s30, s20, $0xb8;
	[tilespmem:$0x1E800] =	vst v63  }
0x4c: {  	_ =	swait.ge [sflag:s18], $0x2800  }
0x4d: {  	[sflag:s18] =	ssyncset.done $0x0  }
0x4e: {  	s31 =	simm.s32 $0x4000;
	[sflag:s18] =	ssyncadd.s32 $0xFFFFD800  }
0x4f: {  	[spmem:s1] =	stream.indirect.scatter.add.f32 [tilespmem:s17], [sflag:$0x1], $0x80, s31, s20, $0xb8;
	[tilespmem:$0x1E800] =	vst v63  }
0x50: {  	_ =	swait.ge [sflag:s18], $0x2800  }
0x51: {  	s22 =	simm.s32 $0x200;
	s23 =	simm.s32 $0x400;
	[sflag:s18] =	ssyncset.done $0x0  }
.LBB2_4:
0x52: {  	s24 =	sshra.s32 s22, $0x2  }
0x53: {  	[sflag:s18] =	ssyncadd.s32 $0xFFFFD800;
	s22 =	smov.u32 s23;
	s25 =	sadd.s32 $0x200, s23  }
0x54: {  	[tilespmem:s17], [sflag:$0x1] =	stream.indirect.gather [hbm4b:s4+s20], $0x80, s24, s20, $0xb8;
	[tilespmem:$0x1E800] =	vst v63  }
0x55: {  	p0 =	sne.s32 s23, $0xF800;
	_ =	swait.ge [sflag:s18], $0x2800  }
.Ltmp1:
0x56: {  	[sflag:s18] =	ssyncset.done $0x0;
	(pc) =	sbr.rel @p0 .LBB2_4-.Ltmp1, $4  }
0x57: {  	s23 =	sadd.s32 $0x4000, s24;
	[sflag:s18] =	ssyncadd.s32 $0xFFFFD800  }
0x58: {  	[spmem:s1] =	stream.indirect.scatter.add.f32 [tilespmem:s17], [sflag:$0x1], $0x80, s23, s20, $0xb8;
	[tilespmem:$0x1E800] =	vst v63  }
0x59: {  	_ =	swait.ge [sflag:s18], $0x2800  }
0x5a: {  	s23 =	smov.u32 s25;
	[sflag:s18] =	ssyncset.done $0x0  }
0x5b: {  	s22 =	sshra.s32 s22, $0x2;
	[sflag:s18] =	ssyncadd.s32 $0xFFFFD800  }
0x5c: {  	[tilespmem:s17], [sflag:$0x1] =	stream.indirect.gather [hbm4b:s4+s20], $0x80, s22, s20, $0xb8;
	[tilespmem:$0x1E800] =	vst v63  }
0x5d: {  	_ =	swait.ge [sflag:s18], $0x2800  }
0x5e: {  	[sflag:s18] =	ssyncset.done $0x0  }
0x5f: {  	s22 =	sadd.s32 $0x4000, s22;
	[sflag:s18] =	ssyncadd.s32 $0xFFFFD800  }
0x60: {  	[spmem:s1] =	stream.indirect.scatter.add.f32 [tilespmem:s17], [sflag:$0x1], $0x80, s22, s20, $0xb8;
	[tilespmem:$0x1E800] =	vst v63  }
0x61: {  	_ =	swait.ge [sflag:s18], $0x2800  }
0x62: {  	s3 =	sadd.s32 $0x1, s3;
	[sflag:s18] =	ssyncset.done $0x0  }
0x63: {  	p0 =	sne.s32 s3, s16;
	[sflag:s18] =	ssyncadd.s32 $0xFFFFD800  }
.Ltmp2:
0x64: {  	s31 =	sshrl.u32 s5, $0x3;
	[bflag:$0x0] =	sbarrier.arrive $0xFFFF;
	(pc) =	sbr.rel @p0 .LBB2_1-.Ltmp2, $4  }
0x65: {  	[hbm:s15], [sflag:s21] =	dma.local [spmem:s31], $0x2800  }
0x66: {  	_ =	swait.ge [sflag:s18], $0x2800  }
0x67: {  	[sflag:s18] =	ssyncset.done $0x0  }
0x68: {  	[sflag:s18] =	ssyncadd.s32 $0xFFFFD800  }
0x69: {  	_ =	sfence.sel $0x180000  }
0x6a: {  	[bflag:$0x0] =	sbarrier.arrive $0xFFFF  }
0x6b: {  	p0 =	sne.s32 s2, $0x0;
	_ =	strace $0x9000004A  }
0x6c: {  	s0 =	sadd.s32 @!p0 $0x100000, s0;
	[bflag:$0x2] =	sbarrier.arrive $0xFFFF  }
0x6d: {  	[sflag:s0] =	ssyncadd.tile.s32 @!p0 $0x1;
	_ =	shalt  }
.Lfunc_end2:
_tile_overlayer_lowered:
.L_overlay_start_2:
0x6e: {  	(tag) =	ssettag $0x2  }
0x6f: {  	s0 =	rddreg [dreg:$0x0];
	s2 =	stileid.u32  }
0x70: {  	s1 =	rddreg [dreg:$0x1];
	p0 =	sne.s32 s2, $0x0  }
0x71: {  	s3 =	rddreg [dreg:$0x2];
	[bflag:$0x3] =	sbarrier.arrive $0xFFFF;
	s2 =	simm.s32 @!p0 $0x1C01  }
0x72: {  	[timem:s3], [sflag:s2] =	dma.local @!p0 [hbm:s0], s1  }
0x73: {  	s0 =	simm.s32 @!p0 $0x1  }
0x74: {  	_ =	swait.ge @!p0 [sflag:s0], s1  }
0x75: {  	s1 =	ssub.s32 @!p0 $0x0, s1;
	[sflag:s0] =	ssyncset.done @!p0 $0x0  }
0x76: {  	[sflag:s0] =	ssyncadd.s32 @!p0 s1  }
0x77: {  	[bflag:$0x3] =	sbarrier.arrive $0xFFFF  }
0x78: {  	_ =	shalt  }

// kernel: kernel.15.cloned.1.call-start
scs
__scs_entry_jumppad:
0x0: {  	(pc) =	sbr.rel $0x88, $3  }
0x1: {  	(tag) =	ssettag $0x0;
	lr =	simm.s32 $0x1  }
0x2: {  	[smem:$0x3F99] =	sst lr;
	_ =	strace $0xD0000000  }
0x3: {  	_ = 	snop  }
0x4: {  	_ = 	snop  }
0x5: {  	_ = 	snop  }
0x6: {  	_ = 	snop  }
0x7: {  	_ = 	snop  }
__scs_overlays_trampoline_lowered:
0x8: {  	[smem:$0x3FA8] =	sst s0  }
0x9: {  	[smem:$0x3FA9] =	sst s1  }
0xa: {  	[smem:$0x3FAA] =	sst s2  }
0xb: {  	[smem:$0x3FAB] =	sst s3  }
0xc: {  	[smem:$0x3FAC] =	sst s4  }
0xd: {  	[smem:$0x3FAD] =	sst s5  }
0xe: {  	[smem:$0x3FAE] =	sst s6  }
0xf: {  	[smem:$0x3FAF] =	sst s7  }
0x10: {  	[smem:$0x3FB0] =	sst s8  }
0x11: {  	[smem:$0x3FB1] =	sst s9;
	s0 =	simm.s32 @!p0 $0x0  }
0x12: {  	s1 =	sld [smem:$0x3F97];
	s0 =	simm.s32 @p0 $0x1  }
0x13: {  	[smem:$0x3FB2] =	sst s0;
	s0 =	simm.s32 @!p1 $0x0  }
0x14: {  	s2 =	sld [smem:$0x3F96];
	s0 =	simm.s32 @p1 $0x1  }
0x15: {  	[smem:$0x3FB3] =	sst s0;
	s0 =	simm.s32 @!p2 $0x0  }
0x16: {  	s3 =	sld [smem:$0x3FDB];
	s0 =	simm.s32 @p2 $0x1  }
0x17: {  	s4 =	simm.s32 $0x1BF5;
	[smem:$0x3FB5] =	sst s0  }
0x18: {  	s0 =	sld [smem:$0x3F98];
	_ =	swait.ge [sflag:s4], $0x0  }
0x19: {  	s7 =	sld [smem:$0x3F99]  }
0x1a: {  	s8 =	sadd.s32 $0xFFFFE003, lr  }
0x1b: {  	s9 =	sadd.s32 $0xFFFFFEF7, lr;
	s5 =	simm.s32 $0xFFFFFFFF;
	p2 =	slt.u32 s8, $0xFFFFF086  }
0x1c: {  	p1 =	slt.u32 s9, $0xF7A;
	s5 =	simm.s32 @!p2 $0x0  }
0x1d: {  	s5 =	simm.s32 @p1 $0x1;
	p0 =	seq.s32 s7, s2  }
0x1e: {  	s7 =	smul.u32 @!p0 $0xF7A, s2;
	p2 =	seq.s32 @!p0 s5, $0x0  }
0x1f: {  	s9 =	smul.u32 $0xF7A, s1;
	s8 =	simm.s32 @!p0 $0x1BF5;
	p2 =	por !p2, p0  }
0x20: {  	[sflag:s8] =	ssyncset.s32 @!p0 $0xFFFFF086;
	s6 =	sadd.s32 @!p0 s3, s7;
	s7 =	simm.s32 @!p0 $0x108  }
0x21: {  	s3 =	sadd.s32 s3, s9;
	s6 =	sadd.s32 @!p0 $0x88, s6;
	s7 =	simm.s32 @p2 $0x1082  }
0x22: {  	[simem:s7], [sflag:s8] =	dma.local @!p0 [hbm:s6], $0xF7A  }
0x23: {  	s9 =	sor.u32 $0xD0000000, s2;
	s6 =	simm.s32 $0x108;
	_ =	swait.ge @!p0 [sflag:s8], $0x0  }
0x24: {  	s3 =	sadd.s32 $0x88, s3;
	s6 =	simm.s32 @!p1 $0x1082;
	[sflag:s4] =	ssyncset.s32 $0xFFFFF086  }
0x25: {  	[simem:s6], [sflag:s4] =	dma.local [hbm:s3], $0xF7A  }
0x26: {  	[smem:$0x3F99] =	sst s1;
	(tag) =	ssettag s2;
	_ =	strace s9  }
0x27: {  	s1 =	sld [smem:$0x3FA9]  }
0x28: {  	s2 =	sld [smem:$0x3FAA]  }
0x29: {  	s4 =	sld [smem:$0x3FAC]  }
0x2a: {  	p0 =	seq.s32 s5, $0x0;
	s5 =	sld [smem:$0x3FAD]  }
0x2b: {  	s6 =	sld [smem:$0x3FAE]  }
0x2c: {  	s7 =	sld [smem:$0x3FAF]  }
0x2d: {  	s3 =	simm.s32 $0x108;
	s8 =	sld [smem:$0x3FB0]  }
0x2e: {  	s3 =	simm.s32 @!p0 $0x1082;
	s9 =	sld [smem:$0x3FB1]  }
0x2f: {  	lr =	sadd.s32 s0, s3;
	s0 =	sld [smem:$0x3FA8]  }
0x30: {  	s3 =	sld [smem:$0x3FAB]  }
0x31: {  	[smem:$0x3FB4] =	sst s10  }
0x32: {  	s10 =	sld [smem:$0x3FB2];
	_ =	sdelay $0x3  }
0x33: {  	p0 =	seq.s32 s10, $0x1;
	s10 =	sld [smem:$0x3FB4];
	_ =	sdelay $0x3  }
0x34: {  	[smem:$0x3FB4] =	sst s10  }
0x35: {  	s10 =	sld [smem:$0x3FB3];
	_ =	sdelay $0x3  }
0x36: {  	p1 =	seq.s32 s10, $0x1;
	s10 =	sld [smem:$0x3FB4];
	_ =	sdelay $0x3  }
0x37: {  	[smem:$0x3FB4] =	sst s10  }
0x38: {  	s10 =	sld [smem:$0x3FB5]  }
0x39: {  	_ = 	snop;
	(pc) =	sbr.ind lr, $3  }
0x3a: {  	_ = 	snop  }
0x3b: {  	_ = 	snop  }
0x3c: {  	p2 =	seq.s32 s10, $0x1;
	s10 =	sld [smem:$0x3FB4]  }
0x3d: {  	_ =	shalt  }
0x3e: {  	_ =	shalt  }
0x3f: {  	_ =	shalt  }
0x40: {  	_ =	shalt  }
0x41: {  	_ =	shalt  }
0x42: {  	_ =	shalt  }
0x43: {  	_ =	shalt  }
0x44: {  	_ =	shalt  }
0x45: {  	_ =	shalt  }
0x46: {  	_ =	shalt  }
0x47: {  	_ =	shalt  }
0x48: {  	_ =	shalt  }
0x49: {  	_ =	shalt  }
0x4a: {  	_ =	shalt  }
0x4b: {  	_ =	shalt  }
0x4c: {  	_ =	shalt  }
0x4d: {  	_ =	shalt  }
0x4e: {  	_ =	shalt  }
0x4f: {  	_ =	shalt  }
0x50: {  	_ =	shalt  }
0x51: {  	_ =	shalt  }
0x52: {  	_ =	shalt  }
0x53: {  	_ =	shalt  }
0x54: {  	_ =	shalt  }
0x55: {  	_ =	shalt  }
0x56: {  	_ =	shalt  }
0x57: {  	_ =	shalt  }
0x58: {  	_ =	shalt  }
0x59: {  	_ =	shalt  }
0x5a: {  	_ =	shalt  }
0x5b: {  	_ =	shalt  }
0x5c: {  	_ =	shalt  }
0x5d: {  	_ =	shalt  }
0x5e: {  	_ =	shalt  }
0x5f: {  	_ =	shalt  }
0x60: {  	_ =	shalt  }
0x61: {  	_ =	shalt  }
0x62: {  	_ =	shalt  }
0x63: {  	_ =	shalt  }
0x64: {  	_ =	shalt  }
0x65: {  	_ =	shalt  }
0x66: {  	_ =	shalt  }
0x67: {  	_ =	shalt  }
0x68: {  	_ =	shalt  }
0x69: {  	_ =	shalt  }
0x6a: {  	_ =	shalt  }
0x6b: {  	_ =	shalt  }
0x6c: {  	_ =	shalt  }
0x6d: {  	_ =	shalt  }
0x6e: {  	_ =	shalt  }
0x6f: {  	_ =	shalt  }
0x70: {  	_ =	shalt  }
0x71: {  	_ =	shalt  }
0x72: {  	_ =	shalt  }
0x73: {  	_ =	shalt  }
0x74: {  	_ =	shalt  }
0x75: {  	_ =	shalt  }
0x76: {  	_ =	shalt  }
0x77: {  	_ =	shalt  }
0x78: {  	_ =	shalt  }
0x79: {  	_ =	shalt  }
0x7a: {  	_ =	shalt  }
0x7b: {  	_ =	shalt  }
0x7c: {  	_ =	shalt  }
0x7d: {  	_ =	shalt  }
0x7e: {  	_ =	shalt  }
0x7f: {  	_ =	shalt  }
0x80: {  	_ =	shalt  }
0x81: {  	_ =	shalt  }
0x82: {  	_ =	shalt  }
0x83: {  	_ =	shalt  }
0x84: {  	_ =	shalt  }
0x85: {  	_ =	shalt  }
0x86: {  	_ =	shalt  }
0x87: {  	_ =	shalt  }
.Lfunc_end0:
.L_simem_size_0:
called_computation.2_lowered:
.L_overlay_start_0:
0x88: {  	s2 =	sld [smem:$0x3FD9]  }
0x89: {  	s3 =	sld [smem:$0x3FFE];
	_ =	sdelay $0x1  }
0x8a: {  	s1 =	srdreg.scid  }
0x8b: {  	s0 =	sand.u32 $0x1, s1  }
0x8c: {  	s16 =	sshll.u32 s0, $0xA;
	s2 =	sadd.s32 s3, s2  }
0x8d: {  	s2 =	sadd.s32 s2, s16  }
0x8e: {  	[smem:$0x3FC0] =	sst s2  }
0x8f: {  	_ = 	snop  }
0x90: {  	(tm) =	ssettm $0x1  }
0x91: {  	s17 =	sld [smem:$0x3FFB];
	_ =	sdelay $0x3  }
0x92: {  	_ =	strace s17  }
0x93: {  	s2 =	sld [smem:$0x3FFC];
	_ =	sdelay $0x3  }
0x94: {  	_ =	strace s2  }
0x95: {  	s2 =	sld [smem:$0x3FFD];
	_ =	sdelay $0x3  }
0x96: {  	_ =	strace s2  }
0x97: {  	_ =	strace $0x8FFFFFFF  }
0x98: {  	s18 =	sld [smem:$0x3FDB];
	_ =	sdelay $0x1  }
0x99: {  	s19 =	simm.s32 $_scs_section_size  }
0x9a: {  	s4 =	simm.s32 $_size__tile_overlayer_lowered;
	s5 =	simm.s32 $_tile_overlayer_lowered  }
0x9b: {  	s22 =	simm.s32 $0x1BFF;
	s21 =	sshll.u32 s5, $0x1;
	s2 =	sadd.s32 s19, s18  }
0x9c: {  	s6 =	simm.s32 $0x0;
	s20 =	sshll.u32 s4, $0x1;
	s4 =	sadd.s32 s21, s2  }
0x9d: {  	[timem:s6], [sflag:s22] =	dma.local [hbm:s4], s20  }
0x9e: {  	_ =	swait.ge [sflag:s22], s20  }
0x9f: {  	s3 =	ssub.s32 $0x0, s20;
	[sflag:s22] =	ssyncset.done $0x0  }
0xa0: {  	[sflag:s22] =	ssyncadd.s32 s3;
	_ =	sdelay $0x1  }
0xa1: {  	s23 =	simm.s32 $0x1B8B  }
0xa2: {  	_ =	swait.ge [sflag:s23], $0x1  }
0xa3: {  	[sflag:s23] =	ssyncset.done $0x0  }
0xa4: {  	s25 =	simm.s32 $0x1B8E;
	s24 =	sld [smem:$0x3FFE];
	[sflag:s23] =	ssyncadd.s32 $0xFFFFFFFF  }
0xa5: {  	s26 =	simm.s32 $execute0_lowered;
	[smem:$0x3FD2] =	sst s25  }
0xa6: {  	s4 =	sshll.u32 s26, $0x1;
	_ =	strace $0x8000004C;
	[dreg:$0x1] =	wrdreg $0xFFFFFFFF  }
0xa7: {  	s28 =	simm.s32 $_size_execute0_lowered;
	s2 =	sadd.s32 s2, s4;
	[dreg:$0x0] =	wrdreg $0x0  }
0xa8: {  	s4 =	sshll.u32 s28, $0x1;
	[dreg:$0x2] =	wrdreg s2  }
0xa9: {  	[dreg:$0x3] =	wrdreg s4  }
0xaa: {  	[dreg:$0x4] =	wrdreg $0xC0  }
0xab: {  	_ =	task [dreg:s6], $0x5FFFF  }
0xac: {  	[dreg:$0x1] =	wrdreg $0xFFFFFFFF  }
0xad: {  	[dreg:$0x0] =	wrdreg $0x60  }
0xae: {  	[dreg:$0x2] =	wrdreg s24  }
0xaf: {  	[dreg:$0x3] =	wrdreg $0xA8000  }
0xb0: {  	[dreg:$0x4] =	wrdreg $0x9  }
0xb1: {  	_ =	task.clear_ibuf [dreg:s6], $0x5FFFF;
	_ =	strace $0x9000004C  }
0xb2: {  	s29 =	simm.s32 $0x9;
	_ =	strace $0x8000004E  }
0xb3: {  	_ =	swait.ge [sflag:s29], $0x1  }
0xb4: {  	[sflag:s29] =	ssyncadd.s32 $0xFFFFFFFF  }
0xb5: {  	_ =	strace $0x9000004E  }
0xb6: {  	_ =	sfence  }
0xb7: {  	s30 =	sld [smem:$0x0];
	_ =	sdelay $0x2  }
0xb8: {  	s31 =	sshll.u32 s1, $0xD;
	s1 =	sshrl.u32 s1, $0x2  }
0xb9: {  	s3 =	sand.u32 $0x4000, s31;
	s1 =	sadd.s32 s1, s30  }
0xba: {  	s0 =	sor.u32 s3, s0;
	s1 =	sshll.u32 s1, $0x11  }
0xbb: {  	s0 =	sor.u32 s1, s0  }
0xbc: {  	s0 =	sadd.s32 $0x8F2B, s0  }
0xbd: {  	[sflag:s0] =	ssyncadd.remote.s32 $0x1  }
0xbe: {  	_ =	sfence.sel $0xFFFF  }
0xbf: {  	[dreg:$0x0] =	wrdreg $0xFFFFFFFF;
	(pc) =	sbr.abs _section_cstart, $3  }
0xc0: {  	[dreg:$0x1] =	wrdreg $0xFFFFFFFF  }
0xc1: {  	_ =	task.clear_ibuf [dreg:s6], $0x2FFFF;
	_ =	strace $0x9FFFFFFF  }
0xc2: {  	(tm) =	ssettm $0x7FFFFFFF  }
0xc3: {  	_ =	shalt  }
tec
execute0_lowered:
.L_overlay_start_1:
0x0: {  	(tag) =	ssettag $0x1  }
0x1: {  	s5 =	rddreg [dreg:$0x0]  }
0x2: {  	s1 =	rddreg [dreg:$0x1]  }
0x3: {  	s0 =	rddreg [dreg:$0x2]  }
0x4: {  	s3 =	simm.s32 $0x0;
	s2 =	srdreg.scid;
	s17 =	simm.s32 $0x8000  }
0x5: {  	s18 =	simm.s32 $0x1;
	s19 =	simm.s32 $0x4000;
	s6 =	sand.u32 $0x1, s2  }
0x6: {  	s20 =	simm.s32 $0x50;
	s2 =	stileid.u32;
	s7 =	smul.u32 $0x140000, s6  }
0x7: {  	[smem:$0x7FF] =	sst s3;
	s4 =	sshll.u32 s2, $0xC;
	s9 =	smul.u32 $0x14000, s2  }
0x8: {  	s8 =	sshll.u32 s6, $0xB;
	_ =	strace $0x8000004D;
	s10 =	smul.u32 $0x50000, s2  }
0x9: {  	s6 =	ssub.s32 $0x2, s6;
	s21 =	sshll.u32 s2, $0x6;
	s8 =	sor.u32 s8, s4  }
0xa: {  	s4 =	sadd.s32 $0x12C00, s5;
	s31 =	sshrl.u32 s6, $0x1;
	s21 =	sor.u32 $0x1C01, s21  }
0xb: {  	s14 =	sadd.s32 s8, s5;
	s7 =	sadd.s32 s9, s7;
	s30 =	sshrl.u32 s10, $0x2  }
0xc: {  	s16 =	ssub.s32 s6, s31;
	s7 =	sshrl.u32 s7, $0x3;
	s13 =	sadd.s32 $0x62C00, s14  }
0xd: {  	s14 =	sadd.s32 $0x2C00, s14;
	s15 =	sadd.s32 s7, s5;
	s5 =	sadd.s32 s30, s1  }
0xe: {  	s16 =	smax.u32 s16, $0x1;
	s6 =	sadd.s32 $0x2800, s5;
	s7 =	sadd.s32 $0x5000, s5  }
0xf: {  	s8 =	sadd.s32 $0x7800, s5;
	s9 =	sadd.s32 $0xA000, s5;
	s10 =	sadd.s32 $0xC800, s5  }
0x10: {  	v0 =	vimm.f32 $0.0e+00;
	s11 =	sadd.s32 $0xF000, s5;
	s12 =	sadd.s32 $0x11800, s5;
	s15 =	sadd.s32 $0x72C00, s15  }
.LBB2_1:
0x11: {  	s22 =	simm.s32 $0x0;
	s23 =	simm.s32 $0x200  }
.LBB2_2:
0x12: {  	p0 =	sne.s32 s23, $0x9E00;
	[tilespmem:s22+$0x8070] =	vst v0  }
0x13: {  	[tilespmem:s22+$0x8000] =	vst v0  }
0x14: {  	[tilespmem:s22+$0x8010] =	vst v0  }
.Ltmp0:
0x15: {  	[tilespmem:s22+$0x8020] =	vst v0;
	(pc) =	sbr.rel @p0 .LBB2_2-.Ltmp0, $4  }
0x16: {  	[tilespmem:s22+$0x8030] =	vst v0  }
0x17: {  	[tilespmem:s22+$0x8040] =	vst v0  }
0x18: {  	[tilespmem:s22+$0x8050] =	vst v0  }
0x19: {  	[tilespmem:s22+$0x8060] =	vst v0;
	s22 =	sshra.s32 s23, $0x2;
	s23 =	sadd.s32 $0x200, s23  }
0x1a: {  	[tilespmem:s22+$0x8070] =	vst v0  }
0x1b: {  	[tilespmem:s22+$0x8000] =	vst v0  }
0x1c: {  	[tilespmem:s22+$0x8010] =	vst v0  }
0x1d: {  	[tilespmem:s22+$0x8020] =	vst v0  }
0x1e: {  	[tilespmem:s22+$0x8030] =	vst v0  }
0x1f: {  	[tilespmem:s22+$0x8040] =	vst v0  }
0x20: {  	[tilespmem:s22+$0x8050] =	vst v0  }
0x21: {  	[tilespmem:s22+$0x8060] =	vst v0  }
0x22: {  	[spmem:s5] =	stream.linear.scatter [tilespmem:s17], [sflag:$0x1], $0x2800, $0x38;
	[tilespmem:$0x1E800] =	vst v63  }
0x23: {  	_ =	swait.ge [sflag:s18], $0x2800  }
0x24: {  	[sflag:s18] =	ssyncset.done $0x0  }
0x25: {  	[sflag:s18] =	ssyncadd.s32 $0xFFFFD800  }
0x26: {  	[spmem:s6] =	stream.linear.scatter [tilespmem:s17], [sflag:$0x1], $0x2800, $0x38;
	[tilespmem:$0x1E800] =	vst v63  }
0x27: {  	_ =	swait.ge [sflag:s18], $0x2800  }
0x28: {  	[sflag:s18] =	ssyncset.done $0x0  }
0x29: {  	[sflag:s18] =	ssyncadd.s32 $0xFFFFD800  }
0x2a: {  	[spmem:s7] =	stream.linear.scatter [tilespmem:s17], [sflag:$0x1], $0x2800, $0x38;
	[tilespmem:$0x1E800] =	vst v63  }
0x2b: {  	_ =	swait.ge [sflag:s18], $0x2800  }
0x2c: {  	[sflag:s18] =	ssyncset.done $0x0  }
0x2d: {  	[sflag:s18] =	ssyncadd.s32 $0xFFFFD800  }
0x2e: {  	[spmem:s8] =	stream.linear.scatter [tilespmem:s17], [sflag:$0x1], $0x2800, $0x38;
	[tilespmem:$0x1E800] =	vst v63  }
0x2f: {  	_ =	swait.ge [sflag:s18], $0x2800  }
0x30: {  	[sflag:s18] =	ssyncset.done $0x0  }
0x31: {  	[sflag:s18] =	ssyncadd.s32 $0xFFFFD800  }
0x32: {  	[spmem:s9] =	stream.linear.scatter [tilespmem:s17], [sflag:$0x1], $0x2800, $0x38;
	[tilespmem:$0x1E800] =	vst v63  }
0x33: {  	_ =	swait.ge [sflag:s18], $0x2800  }
0x34: {  	[sflag:s18] =	ssyncset.done $0x0  }
0x35: {  	[sflag:s18] =	ssyncadd.s32 $0xFFFFD800  }
0x36: {  	[spmem:s10] =	stream.linear.scatter [tilespmem:s17], [sflag:$0x1], $0x2800, $0x38;
	[tilespmem:$0x1E800] =	vst v63  }
0x37: {  	_ =	swait.ge [sflag:s18], $0x2800  }
0x38: {  	[sflag:s18] =	ssyncset.done $0x0  }
0x39: {  	[sflag:s18] =	ssyncadd.s32 $0xFFFFD800  }
0x3a: {  	[spmem:s11] =	stream.linear.scatter [tilespmem:s17], [sflag:$0x1], $0x2800, $0x38;
	[tilespmem:$0x1E800] =	vst v63  }
0x3b: {  	_ =	swait.ge [sflag:s18], $0x2800  }
0x3c: {  	[sflag:s18] =	ssyncset.done $0x0  }
0x3d: {  	[sflag:s18] =	ssyncadd.s32 $0xFFFFD800  }
0x3e: {  	[spmem:s12] =	stream.linear.scatter [tilespmem:s17], [sflag:$0x1], $0x2800, $0x38;
	[tilespmem:$0x1E800] =	vst v63  }
0x3f: {  	_ =	swait.ge [sflag:s18], $0x2800  }
0x40: {  	[sflag:s18] =	ssyncset.done $0x0  }
0x41: {  	s29 =	simm.s32 $0x0;
	[sflag:s18] =	ssyncadd.s32 $0xFFFFD800  }
0x42: {  	[tilespmem:s29], [sflag:$0x1] =	stream.linear.gather [hbm4b:s13+s29], $0x3E80, $0x38;
	[tilespmem:$0x1E800] =	vst v63  }
0x43: {  	_ =	swait.ge [sflag:s18], $0x3E80  }
0x44: {  	[sflag:s18] =	ssyncset.done $0x0  }
0x45: {  	[sflag:s18] =	ssyncadd.s32 $0xFFFFC180  }
0x46: {  	[tilespmem:s19], [sflag:$0x1] =	stream.linear.gather [hbm4b:s14+s29], $0x3E80, $0x38;
	[tilespmem:$0x1E800] =	vst v63  }
0x47: {  	_ =	swait.ge [sflag:s18], $0x3E80  }
0x48: {  	[sflag:s18] =	ssyncset.done $0x0  }
0x49: {  	[sflag:s18] =	ssyncadd.s32 $0xFFFFC180  }
0x4a: {  	s30 =	simm.s32 $0x0;
	[bflag:$0x0] =	sbarrier.arrive $0xFFFF  }
0x4b: {  	[tilespmem:s17], [sflag:$0x1] =	stream.indirect.gather [hbm4b:s4+s20], $0x80, s30, s20, $0xb8;
	[tilespmem:$0x1E800] =	vst v63  }
0x4c: {  	_ =	swait.ge [sflag:s18], $0x2800  }
0x4d: {  	[sflag:s18] =	ssyncset.done $0x0  }
0x4e: {  	s31 =	simm.s32 $0x4000;
	[sflag:s18] =	ssyncadd.s32 $0xFFFFD800  }
0x4f: {  	[spmem:s1] =	stream.indirect.scatter.add.f32 [tilespmem:s17], [sflag:$0x1], $0x80, s31, s20, $0xb8;
	[tilespmem:$0x1E800] =	vst v63  }
0x50: {  	_ =	swait.ge [sflag:s18], $0x2800  }
0x51: {  	s22 =	simm.s32 $0x200;
	s23 =	simm.s32 $0x400;
	[sflag:s18] =	ssyncset.done $0x0  }
.LBB2_4:
0x52: {  	s24 =	sshra.s32 s22, $0x2  }
0x53: {  	[sflag:s18] =	ssyncadd.s32 $0xFFFFD800;
	s22 =	smov.u32 s23;
	s25 =	sadd.s32 $0x200, s23  }
0x54: {  	[tilespmem:s17], [sflag:$0x1] =	stream.indirect.gather [hbm4b:s4+s20], $0x80, s24, s20, $0xb8;
	[tilespmem:$0x1E800] =	vst v63  }
0x55: {  	p0 =	sne.s32 s23, $0xF800;
	_ =	swait.ge [sflag:s18], $0x2800  }
.Ltmp1:
0x56: {  	[sflag:s18] =	ssyncset.done $0x0;
	(pc) =	sbr.rel @p0 .LBB2_4-.Ltmp1, $4  }
0x57: {  	s23 =	sadd.s32 $0x4000, s24;
	[sflag:s18] =	ssyncadd.s32 $0xFFFFD800  }
0x58: {  	[spmem:s1] =	stream.indirect.scatter.add.f32 [tilespmem:s17], [sflag:$0x1], $0x80, s23, s20, $0xb8;
	[tilespmem:$0x1E800] =	vst v63  }
0x59: {  	_ =	swait.ge [sflag:s18], $0x2800  }
0x5a: {  	s23 =	smov.u32 s25;
	[sflag:s18] =	ssyncset.done $0x0  }
0x5b: {  	s22 =	sshra.s32 s22, $0x2;
	[sflag:s18] =	ssyncadd.s32 $0xFFFFD800  }
0x5c: {  	[tilespmem:s17], [sflag:$0x1] =	stream.indirect.gather [hbm4b:s4+s20], $0x80, s22, s20, $0xb8;
	[tilespmem:$0x1E800] =	vst v63  }
0x5d: {  	_ =	swait.ge [sflag:s18], $0x2800  }
0x5e: {  	[sflag:s18] =	ssyncset.done $0x0  }
0x5f: {  	s22 =	sadd.s32 $0x4000, s22;
	[sflag:s18] =	ssyncadd.s32 $0xFFFFD800  }
0x60: {  	[spmem:s1] =	stream.indirect.scatter.add.f32 [tilespmem:s17], [sflag:$0x1], $0x80, s22, s20, $0xb8;
	[tilespmem:$0x1E800] =	vst v63  }
0x61: {  	_ =	swait.ge [sflag:s18], $0x2800  }
0x62: {  	s3 =	sadd.s32 $0x1, s3;
	[sflag:s18] =	ssyncset.done $0x0  }
0x63: {  	p0 =	sne.s32 s3, s16;
	[sflag:s18] =	ssyncadd.s32 $0xFFFFD800  }
.Ltmp2:
0x64: {  	s31 =	sshrl.u32 s5, $0x3;
	[bflag:$0x0] =	sbarrier.arrive $0xFFFF;
	(pc) =	sbr.rel @p0 .LBB2_1-.Ltmp2, $4  }
0x65: {  	[hbm:s15], [sflag:s21] =	dma.local [spmem:s31], $0x2800  }
0x66: {  	_ =	swait.ge [sflag:s18], $0x2800  }
0x67: {  	[sflag:s18] =	ssyncset.done $0x0  }
0x68: {  	[sflag:s18] =	ssyncadd.s32 $0xFFFFD800  }
0x69: {  	_ =	sfence.sel $0x180000  }
0x6a: {  	[bflag:$0x0] =	sbarrier.arrive $0xFFFF  }
0x6b: {  	p0 =	sne.s32 s2, $0x0;
	_ =	strace $0x9000004D  }
0x6c: {  	s0 =	sadd.s32 @!p0 $0x100000, s0;
	[bflag:$0x2] =	sbarrier.arrive $0xFFFF  }
0x6d: {  	[sflag:s0] =	ssyncadd.tile.s32 @!p0 $0x1;
	_ =	shalt  }
.Lfunc_end2:
_tile_overlayer_lowered:
.L_overlay_start_2:
0x6e: {  	(tag) =	ssettag $0x2  }
0x6f: {  	s0 =	rddreg [dreg:$0x0];
	s2 =	stileid.u32  }
0x70: {  	s1 =	rddreg [dreg:$0x1];
	p0 =	sne.s32 s2, $0x0  }
0x71: {  	s3 =	rddreg [dreg:$0x2];
	[bflag:$0x3] =	sbarrier.arrive $0xFFFF;
	s2 =	simm.s32 @!p0 $0x1C01  }
0x72: {  	[timem:s3], [sflag:s2] =	dma.local @!p0 [hbm:s0], s1  }
0x73: {  	s0 =	simm.s32 @!p0 $0x1  }
0x74: {  	_ =	swait.ge @!p0 [sflag:s0], s1  }
0x75: {  	s1 =	ssub.s32 @!p0 $0x0, s1;
	[sflag:s0] =	ssyncset.done @!p0 $0x0  }
0x76: {  	[sflag:s0] =	ssyncadd.s32 @!p0 s1  }
0x77: {  	[bflag:$0x3] =	sbarrier.arrive $0xFFFF  }
0x78: {  	_ =	shalt  }

// kernel: kernel.9.cloned.1.call-start
scs
__scs_entry_jumppad:
0x0: {  	(pc) =	sbr.rel $0x88, $3  }
0x1: {  	(tag) =	ssettag $0x0;
	lr =	simm.s32 $0x1  }
0x2: {  	[smem:$0x3F99] =	sst lr;
	_ =	strace $0xD0000000  }
0x3: {  	_ = 	snop  }
0x4: {  	_ = 	snop  }
0x5: {  	_ = 	snop  }
0x6: {  	_ = 	snop  }
0x7: {  	_ = 	snop  }
__scs_overlays_trampoline_lowered:
0x8: {  	[smem:$0x3FA8] =	sst s0  }
0x9: {  	[smem:$0x3FA9] =	sst s1  }
0xa: {  	[smem:$0x3FAA] =	sst s2  }
0xb: {  	[smem:$0x3FAB] =	sst s3  }
0xc: {  	[smem:$0x3FAC] =	sst s4  }
0xd: {  	[smem:$0x3FAD] =	sst s5  }
0xe: {  	[smem:$0x3FAE] =	sst s6  }
0xf: {  	[smem:$0x3FAF] =	sst s7  }
0x10: {  	[smem:$0x3FB0] =	sst s8  }
0x11: {  	[smem:$0x3FB1] =	sst s9;
	s0 =	simm.s32 @!p0 $0x0  }
0x12: {  	s1 =	sld [smem:$0x3F97];
	s0 =	simm.s32 @p0 $0x1  }
0x13: {  	[smem:$0x3FB2] =	sst s0;
	s0 =	simm.s32 @!p1 $0x0  }
0x14: {  	s2 =	sld [smem:$0x3F96];
	s0 =	simm.s32 @p1 $0x1  }
0x15: {  	[smem:$0x3FB3] =	sst s0;
	s0 =	simm.s32 @!p2 $0x0  }
0x16: {  	s3 =	sld [smem:$0x3FDB];
	s0 =	simm.s32 @p2 $0x1  }
0x17: {  	s4 =	simm.s32 $0x1BF5;
	[smem:$0x3FB5] =	sst s0  }
0x18: {  	s0 =	sld [smem:$0x3F98];
	_ =	swait.ge [sflag:s4], $0x0  }
0x19: {  	s7 =	sld [smem:$0x3F99]  }
0x1a: {  	s8 =	sadd.s32 $0xFFFFE003, lr  }
0x1b: {  	s9 =	sadd.s32 $0xFFFFFEF7, lr;
	s5 =	simm.s32 $0xFFFFFFFF;
	p2 =	slt.u32 s8, $0xFFFFF086  }
0x1c: {  	p1 =	slt.u32 s9, $0xF7A;
	s5 =	simm.s32 @!p2 $0x0  }
0x1d: {  	s5 =	simm.s32 @p1 $0x1;
	p0 =	seq.s32 s7, s2  }
0x1e: {  	s7 =	smul.u32 @!p0 $0xF7A, s2;
	p2 =	seq.s32 @!p0 s5, $0x0  }
0x1f: {  	s9 =	smul.u32 $0xF7A, s1;
	s8 =	simm.s32 @!p0 $0x1BF5;
	p2 =	por !p2, p0  }
0x20: {  	[sflag:s8] =	ssyncset.s32 @!p0 $0xFFFFF086;
	s6 =	sadd.s32 @!p0 s3, s7;
	s7 =	simm.s32 @!p0 $0x108  }
0x21: {  	s3 =	sadd.s32 s3, s9;
	s6 =	sadd.s32 @!p0 $0x88, s6;
	s7 =	simm.s32 @p2 $0x1082  }
0x22: {  	[simem:s7], [sflag:s8] =	dma.local @!p0 [hbm:s6], $0xF7A  }
0x23: {  	s9 =	sor.u32 $0xD0000000, s2;
	s6 =	simm.s32 $0x108;
	_ =	swait.ge @!p0 [sflag:s8], $0x0  }
0x24: {  	s3 =	sadd.s32 $0x88, s3;
	s6 =	simm.s32 @!p1 $0x1082;
	[sflag:s4] =	ssyncset.s32 $0xFFFFF086  }
0x25: {  	[simem:s6], [sflag:s4] =	dma.local [hbm:s3], $0xF7A  }
0x26: {  	[smem:$0x3F99] =	sst s1;
	(tag) =	ssettag s2;
	_ =	strace s9  }
0x27: {  	s1 =	sld [smem:$0x3FA9]  }
0x28: {  	s2 =	sld [smem:$0x3FAA]  }
0x29: {  	s4 =	sld [smem:$0x3FAC]  }
0x2a: {  	p0 =	seq.s32 s5, $0x0;
	s5 =	sld [smem:$0x3FAD]  }
0x2b: {  	s6 =	sld [smem:$0x3FAE]  }
0x2c: {  	s7 =	sld [smem:$0x3FAF]  }
0x2d: {  	s3 =	simm.s32 $0x108;
	s8 =	sld [smem:$0x3FB0]  }
0x2e: {  	s3 =	simm.s32 @!p0 $0x1082;
	s9 =	sld [smem:$0x3FB1]  }
0x2f: {  	lr =	sadd.s32 s0, s3;
	s0 =	sld [smem:$0x3FA8]  }
0x30: {  	s3 =	sld [smem:$0x3FAB]  }
0x31: {  	[smem:$0x3FB4] =	sst s10  }
0x32: {  	s10 =	sld [smem:$0x3FB2];
	_ =	sdelay $0x3  }
0x33: {  	p0 =	seq.s32 s10, $0x1;
	s10 =	sld [smem:$0x3FB4];
	_ =	sdelay $0x3  }
0x34: {  	[smem:$0x3FB4] =	sst s10  }
0x35: {  	s10 =	sld [smem:$0x3FB3];
	_ =	sdelay $0x3  }
0x36: {  	p1 =	seq.s32 s10, $0x1;
	s10 =	sld [smem:$0x3FB4];
	_ =	sdelay $0x3  }
0x37: {  	[smem:$0x3FB4] =	sst s10  }
0x38: {  	s10 =	sld [smem:$0x3FB5]  }
0x39: {  	_ = 	snop;
	(pc) =	sbr.ind lr, $3  }
0x3a: {  	_ = 	snop  }
0x3b: {  	_ = 	snop  }
0x3c: {  	p2 =	seq.s32 s10, $0x1;
	s10 =	sld [smem:$0x3FB4]  }
0x3d: {  	_ =	shalt  }
0x3e: {  	_ =	shalt  }
0x3f: {  	_ =	shalt  }
0x40: {  	_ =	shalt  }
0x41: {  	_ =	shalt  }
0x42: {  	_ =	shalt  }
0x43: {  	_ =	shalt  }
0x44: {  	_ =	shalt  }
0x45: {  	_ =	shalt  }
0x46: {  	_ =	shalt  }
0x47: {  	_ =	shalt  }
0x48: {  	_ =	shalt  }
0x49: {  	_ =	shalt  }
0x4a: {  	_ =	shalt  }
0x4b: {  	_ =	shalt  }
0x4c: {  	_ =	shalt  }
0x4d: {  	_ =	shalt  }
0x4e: {  	_ =	shalt  }
0x4f: {  	_ =	shalt  }
0x50: {  	_ =	shalt  }
0x51: {  	_ =	shalt  }
0x52: {  	_ =	shalt  }
0x53: {  	_ =	shalt  }
0x54: {  	_ =	shalt  }
0x55: {  	_ =	shalt  }
0x56: {  	_ =	shalt  }
0x57: {  	_ =	shalt  }
0x58: {  	_ =	shalt  }
0x59: {  	_ =	shalt  }
0x5a: {  	_ =	shalt  }
0x5b: {  	_ =	shalt  }
0x5c: {  	_ =	shalt  }
0x5d: {  	_ =	shalt  }
0x5e: {  	_ =	shalt  }
0x5f: {  	_ =	shalt  }
0x60: {  	_ =	shalt  }
0x61: {  	_ =	shalt  }
0x62: {  	_ =	shalt  }
0x63: {  	_ =	shalt  }
0x64: {  	_ =	shalt  }
0x65: {  	_ =	shalt  }
0x66: {  	_ =	shalt  }
0x67: {  	_ =	shalt  }
0x68: {  	_ =	shalt  }
0x69: {  	_ =	shalt  }
0x6a: {  	_ =	shalt  }
0x6b: {  	_ =	shalt  }
0x6c: {  	_ =	shalt  }
0x6d: {  	_ =	shalt  }
0x6e: {  	_ =	shalt  }
0x6f: {  	_ =	shalt  }
0x70: {  	_ =	shalt  }
0x71: {  	_ =	shalt  }
0x72: {  	_ =	shalt  }
0x73: {  	_ =	shalt  }
0x74: {  	_ =	shalt  }
0x75: {  	_ =	shalt  }
0x76: {  	_ =	shalt  }
0x77: {  	_ =	shalt  }
0x78: {  	_ =	shalt  }
0x79: {  	_ =	shalt  }
0x7a: {  	_ =	shalt  }
0x7b: {  	_ =	shalt  }
0x7c: {  	_ =	shalt  }
0x7d: {  	_ =	shalt  }
0x7e: {  	_ =	shalt  }
0x7f: {  	_ =	shalt  }
0x80: {  	_ =	shalt  }
0x81: {  	_ =	shalt  }
0x82: {  	_ =	shalt  }
0x83: {  	_ =	shalt  }
0x84: {  	_ =	shalt  }
0x85: {  	_ =	shalt  }
0x86: {  	_ =	shalt  }
0x87: {  	_ =	shalt  }
.Lfunc_end0:
.L_simem_size_0:
called_computation_lowered:
.L_overlay_start_0:
0x88: {  	s2 =	sld [smem:$0x3FD9]  }
0x89: {  	s3 =	sld [smem:$0x3FFE];
	_ =	sdelay $0x1  }
0x8a: {  	s1 =	srdreg.scid  }
0x8b: {  	s0 =	sand.u32 $0x1, s1  }
0x8c: {  	s16 =	sshll.u32 s0, $0xA;
	s2 =	sadd.s32 s3, s2  }
0x8d: {  	s2 =	sadd.s32 s2, s16  }
0x8e: {  	[smem:$0x3FC0] =	sst s2  }
0x8f: {  	_ = 	snop  }
0x90: {  	(tm) =	ssettm $0x1  }
0x91: {  	s17 =	sld [smem:$0x3FFB];
	_ =	sdelay $0x3  }
0x92: {  	_ =	strace s17  }
0x93: {  	s2 =	sld [smem:$0x3FFC];
	_ =	sdelay $0x3  }
0x94: {  	_ =	strace s2  }
0x95: {  	s2 =	sld [smem:$0x3FFD];
	_ =	sdelay $0x3  }
0x96: {  	_ =	strace s2  }
0x97: {  	_ =	strace $0x8FFFFFFF  }
0x98: {  	s18 =	sld [smem:$0x3FDB];
	_ =	sdelay $0x1  }
0x99: {  	s19 =	simm.s32 $_scs_section_size  }
0x9a: {  	s4 =	simm.s32 $_size__tile_overlayer_lowered;
	s5 =	simm.s32 $_tile_overlayer_lowered  }
0x9b: {  	s22 =	simm.s32 $0x1BFF;
	s21 =	sshll.u32 s5, $0x1;
	s2 =	sadd.s32 s19, s18  }
0x9c: {  	s6 =	simm.s32 $0x0;
	s20 =	sshll.u32 s4, $0x1;
	s4 =	sadd.s32 s21, s2  }
0x9d: {  	[timem:s6], [sflag:s22] =	dma.local [hbm:s4], s20  }
0x9e: {  	_ =	swait.ge [sflag:s22], s20  }
0x9f: {  	s3 =	ssub.s32 $0x0, s20;
	[sflag:s22] =	ssyncset.done $0x0  }
0xa0: {  	[sflag:s22] =	ssyncadd.s32 s3;
	_ =	sdelay $0x1  }
0xa1: {  	s23 =	simm.s32 $0x1B8B  }
0xa2: {  	_ =	swait.ge [sflag:s23], $0x1  }
0xa3: {  	[sflag:s23] =	ssyncset.done $0x0  }
0xa4: {  	s25 =	simm.s32 $0x1B8E;
	s24 =	sld [smem:$0x3FFE];
	[sflag:s23] =	ssyncadd.s32 $0xFFFFFFFF  }
0xa5: {  	s26 =	simm.s32 $execute0_lowered;
	[smem:$0x3FD2] =	sst s25  }
0xa6: {  	s4 =	sshll.u32 s26, $0x1;
	_ =	strace $0x80000046;
	[dreg:$0x1] =	wrdreg $0xFFFFFFFF  }
0xa7: {  	s28 =	simm.s32 $_size_execute0_lowered;
	s2 =	sadd.s32 s2, s4;
	[dreg:$0x0] =	wrdreg $0x0  }
0xa8: {  	s4 =	sshll.u32 s28, $0x1;
	[dreg:$0x2] =	wrdreg s2  }
0xa9: {  	[dreg:$0x3] =	wrdreg s4  }
0xaa: {  	[dreg:$0x4] =	wrdreg $0xC0  }
0xab: {  	_ =	task [dreg:s6], $0x5FFFF  }
0xac: {  	[dreg:$0x1] =	wrdreg $0xFFFFFFFF  }
0xad: {  	[dreg:$0x0] =	wrdreg $0x60  }
0xae: {  	[dreg:$0x2] =	wrdreg s24  }
0xaf: {  	[dreg:$0x3] =	wrdreg $0x68000  }
0xb0: {  	[dreg:$0x4] =	wrdreg $0x9  }
0xb1: {  	_ =	task.clear_ibuf [dreg:s6], $0x5FFFF;
	_ =	strace $0x90000046  }
0xb2: {  	s29 =	simm.s32 $0x9;
	_ =	strace $0x80000048  }
0xb3: {  	_ =	swait.ge [sflag:s29], $0x1  }
0xb4: {  	[sflag:s29] =	ssyncadd.s32 $0xFFFFFFFF  }
0xb5: {  	_ =	strace $0x90000048  }
0xb6: {  	_ =	sfence  }
0xb7: {  	s30 =	sld [smem:$0x0];
	_ =	sdelay $0x2  }
0xb8: {  	s31 =	sshll.u32 s1, $0xD;
	s1 =	sshrl.u32 s1, $0x2  }
0xb9: {  	s3 =	sand.u32 $0x4000, s31;
	s1 =	sadd.s32 s1, s30  }
0xba: {  	s0 =	sor.u32 s3, s0;
	s1 =	sshll.u32 s1, $0x11  }
0xbb: {  	s0 =	sor.u32 s1, s0  }
0xbc: {  	s0 =	sadd.s32 $0x8F2B, s0  }
0xbd: {  	[sflag:s0] =	ssyncadd.remote.s32 $0x1  }
0xbe: {  	_ =	sfence.sel $0xFFFF  }
0xbf: {  	[dreg:$0x0] =	wrdreg $0xFFFFFFFF;
	(pc) =	sbr.abs _section_cstart, $3  }
0xc0: {  	[dreg:$0x1] =	wrdreg $0xFFFFFFFF  }
0xc1: {  	_ =	task.clear_ibuf [dreg:s6], $0x2FFFF;
	_ =	strace $0x9FFFFFFF  }
0xc2: {  	(tm) =	ssettm $0x7FFFFFFF  }
0xc3: {  	_ =	shalt  }
tec
execute0_lowered:
.L_overlay_start_1:
0x0: {  	(tag) =	ssettag $0x1  }
0x1: {  	s4 =	rddreg [dreg:$0x0]  }
0x2: {  	s1 =	rddreg [dreg:$0x1]  }
0x3: {  	s2 =	srdreg.scid;
	s0 =	rddreg [dreg:$0x2]  }
0x4: {  	s3 =	simm.s32 $0x0;
	s5 =	sand.u32 $0x1, s2;
	s2 =	stileid.u32  }
0x5: {  	s16 =	simm.s32 $0x1;
	[smem:$0x7FF] =	sst s3;
	s6 =	smul.u32 $0x140000, s5  }
0x6: {  	s17 =	simm.s32 $0x50;
	s7 =	smul.u32 $0x14000, s2;
	_ =	strace $0x80000047  }
0x7: {  	s8 =	sshll.u32 s5, $0xB;
	s9 =	smul.u32 $0x50000, s2;
	s5 =	ssub.s32 $0x2, s5  }
0x8: {  	s15 =	sshll.u32 s2, $0xC;
	s18 =	sshll.u32 s2, $0x6;
	s12 =	sadd.s32 s8, s4  }
0x9: {  	s30 =	sshrl.u32 s5, $0x1;
	s18 =	sor.u32 $0x1C01, s18;
	s6 =	sadd.s32 s7, s6  }
0xa: {  	s31 =	sshrl.u32 s9, $0x2;
	s14 =	ssub.s32 s5, s30;
	s12 =	sadd.s32 s15, s12  }
0xb: {  	s15 =	simm.s32 $0x4000;
	s6 =	sshrl.u32 s6, $0x3;
	s12 =	sadd.s32 $0x2C00, s12  }
0xc: {  	s14 =	smax.u32 s14, $0x1;
	s13 =	sadd.s32 s6, s4;
	s4 =	sadd.s32 s31, s1  }
0xd: {  	s5 =	sadd.s32 $0x2800, s4;
	s6 =	sadd.s32 $0x5000, s4;
	s7 =	sadd.s32 $0x7800, s4  }
0xe: {  	s8 =	sadd.s32 $0xA000, s4;
	s9 =	sadd.s32 $0xC800, s4;
	s10 =	sadd.s32 $0xF000, s4  }
0xf: {  	v0 =	vimm.f32 $0.0e+00;
	v1 =	vimm.f32 $1.000000000e+00;
	s11 =	sadd.s32 $0x11800, s4;
	s13 =	sadd.s32 $0x12C00, s13;
	s19 =	sshrl.u32 s4, $0x3  }
.LBB2_1:
0x10: {  	s20 =	simm.s32 $0x200;
	s21 =	simm.s32 $0x0  }
.LBB2_2:
0x11: {  	p0 =	sne.s32 s20, $0x9E00;
	[tilespmem:s21+$0x4000] =	vst v0;
	s21 =	smov.u32 s20;
	s20 =	sadd.s32 $0x200, s20  }
.Ltmp0:
0x12: {  	(pc) =	sbr.rel @p0 .LBB2_2-.Ltmp0, $2  }
0x13: {  	_ =	sdelay $0x2  }
0x14: {  	s21 =	sshra.s32 s21, $0x2  }
0x15: {  	[tilespmem:s21+$0x4000] =	vst v0  }
0x16: {  	[spmem:s4] =	stream.linear.scatter [tilespmem:s15], [sflag:$0x1], $0x2800, $0x38;
	[tilespmem:$0x9000] =	vst v63  }
0x17: {  	_ =	swait.ge [sflag:s16], $0x2800  }
0x18: {  	[sflag:s16] =	ssyncset.done $0x0  }
0x19: {  	[sflag:s16] =	ssyncadd.s32 $0xFFFFD800  }
0x1a: {  	[spmem:s5] =	stream.linear.scatter [tilespmem:s15], [sflag:$0x1], $0x2800, $0x38;
	[tilespmem:$0x9000] =	vst v63  }
0x1b: {  	_ =	swait.ge [sflag:s16], $0x2800  }
0x1c: {  	[sflag:s16] =	ssyncset.done $0x0  }
0x1d: {  	[sflag:s16] =	ssyncadd.s32 $0xFFFFD800  }
0x1e: {  	[spmem:s6] =	stream.linear.scatter [tilespmem:s15], [sflag:$0x1], $0x2800, $0x38;
	[tilespmem:$0x9000] =	vst v63  }
0x1f: {  	_ =	swait.ge [sflag:s16], $0x2800  }
0x20: {  	[sflag:s16] =	ssyncset.done $0x0  }
0x21: {  	[sflag:s16] =	ssyncadd.s32 $0xFFFFD800  }
0x22: {  	[spmem:s7] =	stream.linear.scatter [tilespmem:s15], [sflag:$0x1], $0x2800, $0x38;
	[tilespmem:$0x9000] =	vst v63  }
0x23: {  	_ =	swait.ge [sflag:s16], $0x2800  }
0x24: {  	[sflag:s16] =	ssyncset.done $0x0  }
0x25: {  	[sflag:s16] =	ssyncadd.s32 $0xFFFFD800  }
0x26: {  	[spmem:s8] =	stream.linear.scatter [tilespmem:s15], [sflag:$0x1], $0x2800, $0x38;
	[tilespmem:$0x9000] =	vst v63  }
0x27: {  	_ =	swait.ge [sflag:s16], $0x2800  }
0x28: {  	[sflag:s16] =	ssyncset.done $0x0  }
0x29: {  	[sflag:s16] =	ssyncadd.s32 $0xFFFFD800  }
0x2a: {  	[spmem:s9] =	stream.linear.scatter [tilespmem:s15], [sflag:$0x1], $0x2800, $0x38;
	[tilespmem:$0x9000] =	vst v63  }
0x2b: {  	_ =	swait.ge [sflag:s16], $0x2800  }
0x2c: {  	[sflag:s16] =	ssyncset.done $0x0  }
0x2d: {  	[sflag:s16] =	ssyncadd.s32 $0xFFFFD800  }
0x2e: {  	[spmem:s10] =	stream.linear.scatter [tilespmem:s15], [sflag:$0x1], $0x2800, $0x38;
	[tilespmem:$0x9000] =	vst v63  }
0x2f: {  	_ =	swait.ge [sflag:s16], $0x2800  }
0x30: {  	[sflag:s16] =	ssyncset.done $0x0  }
0x31: {  	[sflag:s16] =	ssyncadd.s32 $0xFFFFD800  }
0x32: {  	[spmem:s11] =	stream.linear.scatter [tilespmem:s15], [sflag:$0x1], $0x2800, $0x38;
	[tilespmem:$0x9000] =	vst v63  }
0x33: {  	_ =	swait.ge [sflag:s16], $0x2800  }
0x34: {  	[sflag:s16] =	ssyncset.done $0x0  }
0x35: {  	s20 =	simm.s32 $0x200;
	s21 =	simm.s32 $0x0;
	[sflag:s16] =	ssyncadd.s32 $0xFFFFD800  }
.LBB2_4:
0x36: {  	p0 =	sne.s32 s20, $0x9E00;
	[tilespmem:s21+$0x4000] =	vst v1;
	s21 =	smov.u32 s20;
	s20 =	sadd.s32 $0x200, s20  }
.Ltmp1:
0x37: {  	(pc) =	sbr.rel @p0 .LBB2_4-.Ltmp1, $2  }
0x38: {  	_ =	sdelay $0x2  }
0x39: {  	s21 =	sshra.s32 s21, $0x2  }
0x3a: {  	[tilespmem:s21+$0x4000] =	vst v1;
	s20 =	simm.s32 $0x0  }
0x3b: {  	[tilespmem:s20], [sflag:$0x1] =	stream.linear.gather [hbm4b:s12+s20], $0x3E80, $0x38;
	[tilespmem:$0x9000] =	vst v63  }
0x3c: {  	_ =	swait.ge [sflag:s16], $0x3E80  }
0x3d: {  	[sflag:s16] =	ssyncset.done $0x0  }
0x3e: {  	[sflag:s16] =	ssyncadd.s32 $0xFFFFC180  }
0x3f: {  	s31 =	simm.s32 $0x0;
	[bflag:$0x0] =	sbarrier.arrive $0xFFFF  }
0x40: {  	[spmem:s1] =	stream.indirect.scatter.add.f32 [tilespmem:s15], [sflag:$0x1], $0x10, s31, s17, $0xb8;
	[tilespmem:$0x9000] =	vst v63  }
0x41: {  	_ =	swait.ge [sflag:s16], $0x500  }
0x42: {  	s20 =	simm.s32 $0x200;
	[sflag:s16] =	ssyncset.done $0x0  }
.LBB2_6:
0x43: {  	s21 =	sshra.s32 s20, $0x2;
	[sflag:s16] =	ssyncadd.s32 $0xFFFFFB00;
	p0 =	sne.s32 s20, $0xF800  }
0x44: {  	[spmem:s1] =	stream.indirect.scatter.add.f32 [tilespmem:s15], [sflag:$0x1], $0x10, s21, s17, $0xb8;
	[tilespmem:$0x9000] =	vst v63  }
.Ltmp2:
0x45: {  	_ = 	snop;
	(pc) =	sbr.rel @p0 .LBB2_6-.Ltmp2, $4  }
0x46: {  	_ = 	snop  }
0x47: {  	s20 =	sadd.s32 $0x200, s20  }
0x48: {  	_ =	swait.ge [sflag:s16], $0x500  }
0x49: {  	[sflag:s16] =	ssyncset.done $0x0  }
0x4a: {  	s3 =	sadd.s32 $0x1, s3  }
0x4b: {  	[sflag:s16] =	ssyncadd.s32 $0xFFFFFB00;
	p0 =	sne.s32 s3, s14  }
.Ltmp3:
0x4c: {  	[bflag:$0x0] =	sbarrier.arrive $0xFFFF;
	(pc) =	sbr.rel @p0 .LBB2_1-.Ltmp3, $4  }
0x4d: {  	[hbm:s13], [sflag:s18] =	dma.local [spmem:s19], $0x2800  }
0x4e: {  	_ =	swait.ge [sflag:s16], $0x2800  }
0x4f: {  	[sflag:s16] =	ssyncset.done $0x0  }
0x50: {  	[sflag:s16] =	ssyncadd.s32 $0xFFFFD800  }
0x51: {  	_ =	sfence.sel $0x180000  }
0x52: {  	[bflag:$0x0] =	sbarrier.arrive $0xFFFF  }
0x53: {  	p0 =	sne.s32 s2, $0x0;
	_ =	strace $0x90000047  }
0x54: {  	s0 =	sadd.s32 @!p0 $0x100000, s0;
	[bflag:$0x2] =	sbarrier.arrive $0xFFFF  }
0x55: {  	[sflag:s0] =	ssyncadd.tile.s32 @!p0 $0x1;
	_ =	shalt  }
.Lfunc_end2:
_tile_overlayer_lowered:
.L_overlay_start_2:
0x56: {  	(tag) =	ssettag $0x2  }
0x57: {  	s0 =	rddreg [dreg:$0x0];
	s2 =	stileid.u32  }
0x58: {  	s1 =	rddreg [dreg:$0x1];
	p0 =	sne.s32 s2, $0x0  }
0x59: {  	s3 =	rddreg [dreg:$0x2];
	[bflag:$0x3] =	sbarrier.arrive $0xFFFF;
	s2 =	simm.s32 @!p0 $0x1C01  }
0x5a: {  	[timem:s3], [sflag:s2] =	dma.local @!p0 [hbm:s0], s1  }
0x5b: {  	s0 =	simm.s32 @!p0 $0x1  }
0x5c: {  	_ =	swait.ge @!p0 [sflag:s0], s1  }
0x5d: {  	s1 =	ssub.s32 @!p0 $0x0, s1;
	[sflag:s0] =	ssyncset.done @!p0 $0x0  }
0x5e: {  	[sflag:s0] =	ssyncadd.s32 @!p0 s1  }
0x5f: {  	[bflag:$0x3] =	sbarrier.arrive $0xFFFF  }
0x60: {  	_ =	shalt  }

</sc_bundles>
